<compile_context>
chip_gen: v7x
topology: tpu7x:2x2x1
jax: 0.10.2.dev20260603
libtpu: 0.0.44.dev20260713+nightly
codegen_flags: <defaults>
</compile_context>

<pallas_src>
import functools

import jax
import jax.numpy as jnp
from jax import lax
from jax.experimental import pallas as pl
from jax.experimental.pallas import tpu as pltpu
from jax.experimental.pallas import tpu_sc as plsc

ACT_DIM = 768
EXPERTS = 16
K = 32
EXPERT_DICT = 1536
N_TOK = 2048
TP = 64
N_PAIRS = 2 * N_TOK
NT = 84
P_PAD = NT * TP
NW = 32
COMB_PER_W = N_TOK // NW



def _gate_kernel(x_ref, gaterW_ref, gaterb_ref, bgate_ref, idx_ref, w_ref):
    x = x_ref[...]
    n = x.shape[0]
    col = lax.broadcasted_iota(jnp.int32, (n, EXPERTS), 1)
    gl = lax.dot_general(x - bgate_ref[...], gaterW_ref[...],
                         (((1,), (1,)), ((), ())),
                         preferred_element_type=jnp.float32) + gaterb_ref[...]
    probs = jnp.maximum(gl, 0.0)
    m1 = jnp.max(probs, axis=1, keepdims=True)
    i1 = jnp.min(jnp.where(probs == m1, col, EXPERTS), axis=1, keepdims=True)
    probs2 = jnp.where(col == i1, -1.0, probs)
    m2 = jnp.max(probs2, axis=1, keepdims=True)
    i2 = jnp.min(jnp.where(probs2 == m2, col, EXPERTS), axis=1, keepdims=True)
    in_top0 = ((i1 == 0) | (i2 == 0)).astype(jnp.float32)
    in_top1 = ((i1 == 1) | (i2 == 1)).astype(jnp.float32)
    idx_ref[...] = jnp.concatenate([i1, i2], axis=1)
    w_ref[...] = jnp.concatenate([probs[:, 0:1] * in_top0,
                                  probs[:, 1:2] * in_top1], axis=1)



def _topk_mask(z):
    zi = lax.bitcast_convert_type(z, jnp.int32)
    rows = z.shape[0]
    t = jnp.zeros((rows, 1), jnp.int32)
    for bit in range(30, -1, -1):
        cand = t | (1 << bit)
        cnt = jnp.sum((zi >= cand).astype(jnp.int32), axis=1, keepdims=True)
        t = jnp.where(cnt >= K, cand, t)
    gt = zi > t
    n_gt = jnp.sum(gt.astype(jnp.int32), axis=1, keepdims=True)
    m = K - n_gt
    eq = zi == t
    lane = lax.broadcasted_iota(jnp.int32, z.shape, 1)
    c = jnp.zeros((rows, 1), jnp.int32)
    for bit in range(10, -1, -1):
        cand = c | (1 << bit)
        f = jnp.sum((eq & (lane < cand)).astype(jnp.int32), axis=1,
                    keepdims=True)
        c = jnp.where(f < m, cand, c)
    return gt | (eq & (lane <= c))


def _grouped_kernel(eot_ref, hw_ref, tok_ref, x_ref, encW_ref, encb_ref,
                    decW_ref, wp_ref, bdec_ref, outp_ref):
    i = pl.program_id(0)

    @pl.when(hw_ref[i] == 0)
    def _zero():
        outp_ref[...] = jnp.zeros_like(outp_ref)

    @pl.when(hw_ref[i] != 0)
    def _work():
        oh = (tok_ref[...] == lax.broadcasted_iota(
            jnp.int32, (TP, N_TOK), 1)).astype(jnp.float32)
        xg = lax.dot_general(oh, x_ref[...], (((1,), (0,)), ((), ())),
                             preferred_element_type=jnp.float32)
        xc = (xg - bdec_ref[...]).astype(jnp.bfloat16)
        z = jnp.maximum(
            lax.dot_general(xc, encW_ref[0].astype(jnp.bfloat16),
                            (((1,), (1,)), ((), ())),
                            preferred_element_type=jnp.float32)
            + encb_ref[0], 0.0)
        mz = jnp.where(_topk_mask(z), z, 0.0).astype(jnp.bfloat16)
        outp_ref[...] = lax.dot_general(
            mz, decW_ref[0].astype(jnp.bfloat16), (((1,), (0,)), ((), ())),
            preferred_element_type=jnp.float32) * wp_ref[...]



def _sc_combine(outp_hbm, pos0_hbm, pos1_hbm, g0_hbm, g1_hbm,
                p0_v, p1_v, r0_v, r1_v, sem):
    wid = lax.axis_index("s") * 2 + lax.axis_index("c")
    base = wid * COMB_PER_W
    pltpu.sync_copy(pos0_hbm.at[pl.ds(base, COMB_PER_W)], p0_v)
    pltpu.sync_copy(pos1_hbm.at[pl.ds(base, COMB_PER_W)], p1_v)
    c0 = pltpu.async_copy(outp_hbm.at[p0_v], r0_v, sem)
    c1 = pltpu.async_copy(outp_hbm.at[p1_v], r1_v, sem)
    c0.wait()
    c1.wait()
    pltpu.sync_copy(r0_v, g0_hbm.at[pl.ds(base, COMB_PER_W)])
    pltpu.sync_copy(r1_v, g1_hbm.at[pl.ds(base, COMB_PER_W)])



def _add_kernel(g0_ref, g1_ref, bdec_ref, out_ref):
    out_ref[...] = g0_ref[...] + g1_ref[...] + bdec_ref[...]



@jax.jit
def kernel(x, enc_W, enc_b, dec_W, gater_W, gater_b, b_dec, b_gate):
    idx2, w2 = pl.pallas_call(
        _gate_kernel,
        out_shape=[jax.ShapeDtypeStruct((N_TOK, 2), jnp.int32),
                   jax.ShapeDtypeStruct((N_TOK, 2), jnp.float32)],
    )(x, gater_W, gater_b.reshape(1, EXPERTS), b_gate.reshape(1, ACT_DIM))

    pe = jnp.concatenate([idx2[:, 0], idx2[:, 1]])
    pw = jnp.concatenate([w2[:, 0], w2[:, 1]])
    valid = pw > 0.0
    oh = ((pe[:, None] == jnp.arange(EXPERTS)[None, :]) & valid[:, None])
    ohi = oh.astype(jnp.int32)
    counts = jnp.sum(ohi, axis=0)
    rank = jnp.sum((jnp.cumsum(ohi, axis=0) - ohi) * ohi, axis=1)
    tiles_e = (counts + TP - 1) // TP
    tile_end = jnp.cumsum(tiles_e)
    pad_start = (tile_end - tiles_e) * TP
    pos = jnp.where(valid, pad_start[pe] + rank, P_PAD)
    tok = jnp.concatenate([jnp.arange(N_TOK, dtype=jnp.int32)] * 2)
    tok_pad = jnp.zeros((P_PAD, 1), jnp.int32).at[pos, 0].set(tok, mode="drop")
    w_pad = jnp.zeros((P_PAD, 1), jnp.float32).at[pos, 0].set(pw, mode="drop")
    used = tile_end[EXPERTS - 1]
    ids = jnp.arange(NT)
    eot_raw = jnp.clip(jnp.searchsorted(tile_end, ids, side="right"),
                       0, EXPERTS - 1)
    last_e = eot_raw[jnp.clip(used - 1, 0, NT - 1)]
    eot = jnp.where(ids < used, eot_raw, last_e).astype(jnp.int32)
    hw = (ids < used).astype(jnp.int32)
    sent = P_PAD - 1
    pos0 = jnp.where(valid[:N_TOK], pos[:N_TOK], sent).astype(jnp.int32)
    pos1 = jnp.where(valid[N_TOK:], pos[N_TOK:], sent).astype(jnp.int32)

    outp = pl.pallas_call(
        _grouped_kernel,
        grid_spec=pltpu.PrefetchScalarGridSpec(
            num_scalar_prefetch=2,
            grid=(NT,),
            in_specs=[
                pl.BlockSpec((TP, 1), lambda i, eot, hw: (i, 0)),
                pl.BlockSpec((N_TOK, ACT_DIM), lambda i, eot, hw: (0, 0)),
                pl.BlockSpec((1, EXPERT_DICT, ACT_DIM),
                             lambda i, eot, hw: (eot[i], 0, 0)),
                pl.BlockSpec((1, 1, EXPERT_DICT),
                             lambda i, eot, hw: (eot[i], 0, 0)),
                pl.BlockSpec((1, EXPERT_DICT, ACT_DIM),
                             lambda i, eot, hw: (eot[i], 0, 0)),
                pl.BlockSpec((TP, 1), lambda i, eot, hw: (i, 0)),
                pl.BlockSpec((1, ACT_DIM), lambda i, eot, hw: (0, 0)),
            ],
            out_specs=pl.BlockSpec((TP, ACT_DIM), lambda i, eot, hw: (i, 0)),
        ),
        out_shape=jax.ShapeDtypeStruct((P_PAD, ACT_DIM), jnp.float32),
    )(eot, hw, tok_pad, x, enc_W, enc_b.reshape(EXPERTS, 1, EXPERT_DICT),
      dec_W, w_pad, b_dec.reshape(1, ACT_DIM))

    mesh = plsc.VectorSubcoreMesh(core_axis_name="c", subcore_axis_name="s")
    g0, g1 = pl.kernel(
        _sc_combine, mesh=mesh,
        out_type=[jax.ShapeDtypeStruct((N_TOK, ACT_DIM), jnp.float32),
                  jax.ShapeDtypeStruct((N_TOK, ACT_DIM), jnp.float32)],
        scratch_types=[pltpu.VMEM((COMB_PER_W,), jnp.int32),
                       pltpu.VMEM((COMB_PER_W,), jnp.int32),
                       pltpu.VMEM((COMB_PER_W, ACT_DIM), jnp.float32),
                       pltpu.VMEM((COMB_PER_W, ACT_DIM), jnp.float32),
                       pltpu.SemaphoreType.DMA],
    )(outp, pos0, pos1)

    return pl.pallas_call(
        _add_kernel,
        grid=(N_TOK // 256,),
        in_specs=[pl.BlockSpec((256, ACT_DIM), lambda t: (t, 0)),
                  pl.BlockSpec((256, ACT_DIM), lambda t: (t, 0)),
                  pl.BlockSpec((1, ACT_DIM), lambda t: (0, 0))],
        out_specs=pl.BlockSpec((256, ACT_DIM), lambda t: (t, 0)),
        out_shape=jax.ShapeDtypeStruct((N_TOK, ACT_DIM), jnp.float32),
    )(g0, g1, b_dec.reshape(1, ACT_DIM))

# --- scband reference (transcript-rebuilt; emitter-appended) ---
"""Pipeline reference for scband-mo-eauto-encoder-28363964023538 (READ-ONLY COPY).

The authoritative reference and input builder live on the scoring server;
editing this copy changes nothing except your own understanding.
"""

import jax, jax.numpy as jnp
import numpy as np

ACT_DIM = 768
DICT = 24576
EXPERTS = 16
E = 2
K = 64 // E  # per-expert top-k = 32
EXPERT_DICT = DICT // EXPERTS  # 1536
N_TOK = 2048


def setup_inputs(seed: int = 0) -> dict:
    key = jax.random.key(seed)
    ks = jax.random.split(key, 3)
    x = jax.random.normal(ks[0], (N_TOK, ACT_DIM), dtype=jnp.float32)
    enc_W = jax.random.normal(ks[1], (EXPERTS, EXPERT_DICT, ACT_DIM), dtype=jnp.float32) / np.sqrt(ACT_DIM)
    enc_b = jnp.zeros((EXPERTS, EXPERT_DICT), dtype=jnp.float32)
    eps = jnp.finfo(jnp.float32).eps
    # decoders initialized as clone of encoder weights, then row-normalized (dim=1 i.e. over d_in)
    dec_W = enc_W / (jnp.linalg.norm(enc_W, axis=-1, keepdims=True) + eps)
    gater_W = jax.random.normal(ks[2], (EXPERTS, ACT_DIM), dtype=jnp.float32) / np.sqrt(ACT_DIM)
    gater_b = jnp.zeros((EXPERTS,), dtype=jnp.float32)
    b_dec = jnp.zeros((ACT_DIM,), dtype=jnp.float32)
    b_gate = jnp.zeros((ACT_DIM,), dtype=jnp.float32)
    return {"x": x, "enc_W": enc_W, "enc_b": enc_b, "dec_W": dec_W,
            "gater_W": gater_W, "gater_b": gater_b, "b_dec": b_dec, "b_gate": b_gate}


def reference(x, enc_W, enc_b, dec_W, gater_W, gater_b, b_dec, b_gate):
    N = x.shape[0]
    # gate
    gate_logits = (x - b_gate) @ gater_W.T + gater_b
    probs = jax.nn.relu(gate_logits)
    _, top_idx_e = jax.lax.top_k(probs, E)  # [N, E] selected expert ids per slot
    mask = jnp.zeros_like(probs).at[jnp.arange(N)[:, None], top_idx_e].set(1.0)
    top_e = probs * mask  # [N, EXPERTS] masked probs (heaviside=False)

    # encode + sparse decode. NOTE: faithful to original, decode weight for slot i is
    # top_e[:, i] (column i of the full expert-dim masked probs), as in the torch code.
    xc = x - b_dec
    x_hat = jnp.zeros((N, ACT_DIM), dtype=x.dtype)
    for expert in range(EXPERTS):
        z = jax.nn.relu(xc @ enc_W[expert].T + enc_b[expert])  # [N, EXPERT_DICT]
        acts, idxk = jax.lax.top_k(z, K)  # [N, K]
        dec_rows = dec_W[expert][idxk]  # gather: [N, K, ACT_DIM]
        xh_e = jnp.einsum('nk,nkd->nd', acts, dec_rows)  # sparse decode
        for i in range(E):
            sel = (top_idx_e[:, i] == expert).astype(x.dtype)  # tokens routed to this expert in slot i
            w = top_e[:, i]
            x_hat = x_hat + (sel * w)[:, None] * xh_e
    return x_hat + b_dec

if __name__ == "__main__":
    import jax
    _d = setup_inputs()
    print(jax.jit(kernel)(*tuple(_d.values())))

</pallas_src>

<mosaic_0001>
#map = affine_map<(d0, d1) -> (0, 0)>
#map1 = affine_map<(d0, d1) -> (0)>
module attributes {stable_mosaic.version = 14 : i64} {
  func.func @_sc_combine(%arg0: i32, %arg1: i32, %arg2: memref<5376x768xf32, #tpu.memory_space<hbm>>, %arg3: memref<2048xi32, #tpu.memory_space<hbm>>, %arg4: memref<2048xi32, #tpu.memory_space<hbm>>, %arg5: memref<2048x768xf32, #tpu.memory_space<hbm>>, %arg6: memref<2048x768xf32, #tpu.memory_space<hbm>>, %arg7: memref<64xi32, #tpu.memory_space<vmem>>, %arg8: memref<64xi32, #tpu.memory_space<vmem>>, %arg9: memref<64x768xf32, #tpu.memory_space<vmem>>, %arg10: memref<64x768xf32, #tpu.memory_space<vmem>>, %arg11: memref<!tpu.dma_semaphore, #tpu.memory_space<semaphore_mem>>) attributes {dimension_semantics = [#tpu.dimension_semantics<core_parallel>, #tpu.dimension_semantics<subcore_parallel>], iteration_bounds = array<i64: 2, 16>, scalar_prefetch = 0 : i64, scratch_operands = 5 : i64, tpu.core_type = #tpu.core_type<sc_vector_subcore>, window_params = [{transform_indices = #map}, {transform_indices = #map1}, {transform_indices = #map1}, {transform_indices = #map}, {transform_indices = #map}]} {
    %mul3A = arith.constant 2 : i32
    %mul3A_0 = arith.muli %arg1, %mul3A : i32
    %add3A = arith.addi %mul3A_0, %arg0 : i32
    %mul3A_1 = arith.constant 64 : i32
    %mul3A_2 = arith.muli %add3A, %mul3A_1 : i32
    "tpu.region"() ({
      %run_scoped3A = tpu.sem_alloc : memref<!tpu.dma_semaphore, #tpu.memory_space<semaphore_mem>>
      %dma_start3A_13 = tpu.memref_slice %arg3[%mul3A_2] : memref<2048xi32, #tpu.memory_space<hbm>> -> memref<64xi32, #tpu.memory_space<hbm>>
      %dma_start3A_14 = tpu.memref_slice %arg3[%mul3A_2] : memref<2048xi32, #tpu.memory_space<hbm>> -> memref<64xi32, #tpu.memory_space<hbm>>
      tpu.enqueue_dma source(%dma_start3A_14 : memref<64xi32, #tpu.memory_space<hbm>>) target(%arg7 : memref<64xi32, #tpu.memory_space<vmem>>) target_semaphore(%run_scoped3A : memref<!tpu.dma_semaphore, #tpu.memory_space<semaphore_mem>>)
      %dma_wait3A_15 = tpu.memref_slice %arg3[%mul3A_2] : memref<2048xi32, #tpu.memory_space<hbm>> -> memref<64xi32, #tpu.memory_space<hbm>>
      %dma_wait3A_16 = tpu.memref_slice %arg3[%mul3A_2] : memref<2048xi32, #tpu.memory_space<hbm>> -> memref<64xi32, #tpu.memory_space<hbm>>
      tpu.wait_dma2 semaphore(%run_scoped3A : memref<!tpu.dma_semaphore, #tpu.memory_space<semaphore_mem>>) src(%dma_wait3A_16 : memref<64xi32, #tpu.memory_space<hbm>>) dst(%arg7 : memref<64xi32, #tpu.memory_space<vmem>>)
      tpu.yield
    }) : () -> ()
    "tpu.region"() ({
      %run_scoped3A = tpu.sem_alloc : memref<!tpu.dma_semaphore, #tpu.memory_space<semaphore_mem>>
      %dma_start3A_13 = tpu.memref_slice %arg4[%mul3A_2] : memref<2048xi32, #tpu.memory_space<hbm>> -> memref<64xi32, #tpu.memory_space<hbm>>
      %dma_start3A_14 = tpu.memref_slice %arg4[%mul3A_2] : memref<2048xi32, #tpu.memory_space<hbm>> -> memref<64xi32, #tpu.memory_space<hbm>>
      tpu.enqueue_dma source(%dma_start3A_14 : memref<64xi32, #tpu.memory_space<hbm>>) target(%arg8 : memref<64xi32, #tpu.memory_space<vmem>>) target_semaphore(%run_scoped3A : memref<!tpu.dma_semaphore, #tpu.memory_space<semaphore_mem>>)
      %dma_wait3A_15 = tpu.memref_slice %arg4[%mul3A_2] : memref<2048xi32, #tpu.memory_space<hbm>> -> memref<64xi32, #tpu.memory_space<hbm>>
      %dma_wait3A_16 = tpu.memref_slice %arg4[%mul3A_2] : memref<2048xi32, #tpu.memory_space<hbm>> -> memref<64xi32, #tpu.memory_space<hbm>>
      tpu.wait_dma2 semaphore(%run_scoped3A : memref<!tpu.dma_semaphore, #tpu.memory_space<semaphore_mem>>) src(%dma_wait3A_16 : memref<64xi32, #tpu.memory_space<hbm>>) dst(%arg8 : memref<64xi32, #tpu.memory_space<vmem>>)
      tpu.yield
    }) : () -> ()
    %dma_start3A = arith.constant 0 : i32
    %dma_start3A_3 = arith.constant 0 : i32
    %dma_start3A_4 = tpu.memref_slice %arg2[%dma_start3A, %dma_start3A_3] : memref<5376x768xf32, #tpu.memory_space<hbm>> -> memref<5376x768xf32, #tpu.memory_space<hbm>>
    tpu.enqueue_indirect_dma source(%dma_start3A_4 : memref<5376x768xf32, #tpu.memory_space<hbm>>) target(%arg9 : memref<64x768xf32, #tpu.memory_space<vmem>>) offsets(%arg7 : memref<64xi32, #tpu.memory_space<vmem>>) semaphore(%arg11 : memref<!tpu.dma_semaphore, #tpu.memory_space<semaphore_mem>>)
    %dma_start3A_5 = arith.constant 0 : i32
    %dma_start3A_6 = arith.constant 0 : i32
    %dma_start3A_7 = tpu.memref_slice %arg2[%dma_start3A_5, %dma_start3A_6] : memref<5376x768xf32, #tpu.memory_space<hbm>> -> memref<5376x768xf32, #tpu.memory_space<hbm>>
    tpu.enqueue_indirect_dma source(%dma_start3A_7 : memref<5376x768xf32, #tpu.memory_space<hbm>>) target(%arg10 : memref<64x768xf32, #tpu.memory_space<vmem>>) offsets(%arg8 : memref<64xi32, #tpu.memory_space<vmem>>) semaphore(%arg11 : memref<!tpu.dma_semaphore, #tpu.memory_space<semaphore_mem>>)
    %dma_wait3A = arith.constant 0 : i32
    %dma_wait3A_8 = arith.constant 0 : i32
    %dma_wait3A_9 = tpu.memref_slice %arg2[%dma_wait3A, %dma_wait3A_8] : memref<5376x768xf32, #tpu.memory_space<hbm>> -> memref<5376x768xf32, #tpu.memory_space<hbm>>
    tpu.wait_indirect_dma semaphore(%arg11 : memref<!tpu.dma_semaphore, #tpu.memory_space<semaphore_mem>>) src(%dma_wait3A_9 : memref<5376x768xf32, #tpu.memory_space<hbm>>) dst(%arg9 : memref<64x768xf32, #tpu.memory_space<vmem>>)
    %dma_wait3A_10 = arith.constant 0 : i32
    %dma_wait3A_11 = arith.constant 0 : i32
    %dma_wait3A_12 = tpu.memref_slice %arg2[%dma_wait3A_10, %dma_wait3A_11] : memref<5376x768xf32, #tpu.memory_space<hbm>> -> memref<5376x768xf32, #tpu.memory_space<hbm>>
    tpu.wait_indirect_dma semaphore(%arg11 : memref<!tpu.dma_semaphore, #tpu.memory_space<semaphore_mem>>) src(%dma_wait3A_12 : memref<5376x768xf32, #tpu.memory_space<hbm>>) dst(%arg10 : memref<64x768xf32, #tpu.memory_space<vmem>>)
    "tpu.region"() ({
      %run_scoped3A = tpu.sem_alloc : memref<!tpu.dma_semaphore, #tpu.memory_space<semaphore_mem>>
      %dma_start3A_13 = arith.constant 0 : i32
      %dma_start3A_14 = tpu.memref_slice %arg5[%mul3A_2, %dma_start3A_13] : memref<2048x768xf32, #tpu.memory_space<hbm>> -> memref<64x768xf32, #tpu.memory_space<hbm>>
      %dma_start3A_15 = arith.constant 0 : i32
      %dma_start3A_16 = tpu.memref_slice %arg5[%mul3A_2, %dma_start3A_15] : memref<2048x768xf32, #tpu.memory_space<hbm>> -> memref<64x768xf32, #tpu.memory_space<hbm>>
      tpu.enqueue_dma source(%arg9 : memref<64x768xf32, #tpu.memory_space<vmem>>) target(%dma_start3A_16 : memref<64x768xf32, #tpu.memory_space<hbm>>) target_semaphore(%run_scoped3A : memref<!tpu.dma_semaphore, #tpu.memory_space<semaphore_mem>>)
      %dma_wait3A_17 = arith.constant 0 : i32
      %dma_wait3A_18 = tpu.memref_slice %arg5[%mul3A_2, %dma_wait3A_17] : memref<2048x768xf32, #tpu.memory_space<hbm>> -> memref<64x768xf32, #tpu.memory_space<hbm>>
      %dma_wait3A_19 = arith.constant 0 : i32
      %dma_wait3A_20 = tpu.memref_slice %arg5[%mul3A_2, %dma_wait3A_19] : memref<2048x768xf32, #tpu.memory_space<hbm>> -> memref<64x768xf32, #tpu.memory_space<hbm>>
      tpu.wait_dma2 semaphore(%run_scoped3A : memref<!tpu.dma_semaphore, #tpu.memory_space<semaphore_mem>>) src(%arg9 : memref<64x768xf32, #tpu.memory_space<vmem>>) dst(%dma_wait3A_20 : memref<64x768xf32, #tpu.memory_space<hbm>>)
      tpu.yield
    }) : () -> ()
    "tpu.region"() ({
      %run_scoped3A = tpu.sem_alloc : memref<!tpu.dma_semaphore, #tpu.memory_space<semaphore_mem>>
      %dma_start3A_13 = arith.constant 0 : i32
      %dma_start3A_14 = tpu.memref_slice %arg6[%mul3A_2, %dma_start3A_13] : memref<2048x768xf32, #tpu.memory_space<hbm>> -> memref<64x768xf32, #tpu.memory_space<hbm>>
      %dma_start3A_15 = arith.constant 0 : i32
      %dma_start3A_16 = tpu.memref_slice %arg6[%mul3A_2, %dma_start3A_15] : memref<2048x768xf32, #tpu.memory_space<hbm>> -> memref<64x768xf32, #tpu.memory_space<hbm>>
      tpu.enqueue_dma source(%arg10 : memref<64x768xf32, #tpu.memory_space<vmem>>) target(%dma_start3A_16 : memref<64x768xf32, #tpu.memory_space<hbm>>) target_semaphore(%run_scoped3A : memref<!tpu.dma_semaphore, #tpu.memory_space<semaphore_mem>>)
      %dma_wait3A_17 = arith.constant 0 : i32
      %dma_wait3A_18 = tpu.memref_slice %arg6[%mul3A_2, %dma_wait3A_17] : memref<2048x768xf32, #tpu.memory_space<hbm>> -> memref<64x768xf32, #tpu.memory_space<hbm>>
      %dma_wait3A_19 = arith.constant 0 : i32
      %dma_wait3A_20 = tpu.memref_slice %arg6[%mul3A_2, %dma_wait3A_19] : memref<2048x768xf32, #tpu.memory_space<hbm>> -> memref<64x768xf32, #tpu.memory_space<hbm>>
      tpu.wait_dma2 semaphore(%run_scoped3A : memref<!tpu.dma_semaphore, #tpu.memory_space<semaphore_mem>>) src(%arg10 : memref<64x768xf32, #tpu.memory_space<vmem>>) dst(%dma_wait3A_20 : memref<64x768xf32, #tpu.memory_space<hbm>>)
      tpu.yield
    }) : () -> ()
    return
  }
}

module attributes {stable_mosaic.version = 14 : i64} {
  func.func @_gate_kernel(%arg0: memref<2048x768xf32, #tpu.memory_space<vmem>>, %arg1: memref<16x768xf32, #tpu.memory_space<vmem>>, %arg2: memref<1x16xf32, #tpu.memory_space<vmem>>, %arg3: memref<1x768xf32, #tpu.memory_space<vmem>>, %arg4: memref<2048x2xi32, #tpu.memory_space<vmem>>, %arg5: memref<2048x2xf32, #tpu.memory_space<vmem>>) attributes {dimension_semantics = [], scalar_prefetch = 0 : i64, scratch_operands = 0 : i64, tpu.core_type = #tpu.core_type<tc>} {
    %get3A = arith.constant 0 : index
    %get3A_0 = arith.constant 0 : index
    %get3A_1 = vector.load %arg0[%get3A, %get3A_0] : memref<2048x768xf32, #tpu.memory_space<vmem>>, vector<2048x768xf32>
    %iota3A = tpu.iota {dimensions = array<i32: 1>} : vector<2048x16xi32>
    %get3A_2 = arith.constant 0 : index
    %get3A_3 = arith.constant 0 : index
    %get3A_4 = vector.load %arg3[%get3A_2, %get3A_3] : memref<1x768xf32, #tpu.memory_space<vmem>>, vector<1x768xf32>
    %sub3A = vector.broadcast %get3A_4 : vector<1x768xf32> to vector<2048x768xf32>
    %sub3A_5 = arith.subf %get3A_1, %sub3A : vector<2048x768xf32>
    %get3A_6 = arith.constant 0 : index
    %get3A_7 = arith.constant 0 : index
    %get3A_8 = vector.load %arg1[%get3A_6, %get3A_7] : memref<16x768xf32, #tpu.memory_space<vmem>>, vector<16x768xf32>
    %dot_general3A = arith.constant dense<0.000000e+00> : vector<2048x16xf32>
    %dot_general3A_9 = tpu.matmul %sub3A_5, %get3A_8, %dot_general3A {dimension_numbers = #tpu.dot_dimension_numbers<[1], [1], [0], [0], [0, 0, 1, 0], [], []>, transpose_lhs_hint = false} : vector<2048x768xf32>, vector<16x768xf32>, vector<2048x16xf32> -> vector<2048x16xf32>
    %get3A_10 = arith.constant 0 : index
    %get3A_11 = arith.constant 0 : index
    %get3A_12 = vector.load %arg2[%get3A_10, %get3A_11] : memref<1x16xf32, #tpu.memory_space<vmem>>, vector<1x16xf32>
    %add3A = vector.broadcast %get3A_12 : vector<1x16xf32> to vector<2048x16xf32>
    %add3A_13 = arith.addf %dot_general3A_9, %add3A : vector<2048x16xf32>
    %max3A = arith.constant 0.000000e+00 : f32
    %max3A_14 = vector.broadcast %max3A : f32 to vector<2048x16xf32>
    %max3A_15 = arith.maximumf %add3A_13, %max3A_14 : vector<2048x16xf32>
    %reduce_max3A = arith.constant dense<0xFF800000> : vector<2048xf32>
    %reduce_max3A_16 = vector.multi_reduction <maximumf>, %max3A_15, %reduce_max3A [1] : vector<2048x16xf32> to vector<2048xf32>
    %broadcast_in_dim3A = vector.shape_cast %reduce_max3A_16 : vector<2048xf32> to vector<2048x1xf32>
    %eq3A = vector.broadcast %broadcast_in_dim3A : vector<2048x1xf32> to vector<2048x16xf32>
    %eq3A_17 = arith.cmpf oeq, %max3A_15, %eq3A : vector<2048x16xf32>
    %jit3A = arith.constant 16 : i32
    %broadcast_in_dim3A_18 = vector.broadcast %jit3A : i32 to vector<2048x16xi32>
    %select_n3A = arith.select %eq3A_17, %iota3A, %broadcast_in_dim3A_18 : vector<2048x16xi1>, vector<2048x16xi32>
    %reduce_min3A = arith.constant dense<2147483647> : vector<2048xi32>
    %reduce_min3A_19 = vector.multi_reduction <minsi>, %select_n3A, %reduce_min3A [1] : vector<2048x16xi32> to vector<2048xi32>
    %broadcast_in_dim3A_20 = vector.shape_cast %reduce_min3A_19 : vector<2048xi32> to vector<2048x1xi32>
    %eq3A_21 = vector.broadcast %broadcast_in_dim3A_20 : vector<2048x1xi32> to vector<2048x16xi32>
    %eq3A_22 = arith.cmpi eq, %iota3A, %eq3A_21 : vector<2048x16xi32>
    %jit3A_23 = arith.constant -1.000000e+00 : f32
    %broadcast_in_dim3A_24 = vector.broadcast %jit3A_23 : f32 to vector<2048x16xf32>
    %select_n3A_25 = arith.select %eq3A_22, %broadcast_in_dim3A_24, %max3A_15 : vector<2048x16xi1>, vector<2048x16xf32>
    %reduce_max3A_26 = arith.constant dense<0xFF800000> : vector<2048xf32>
    %reduce_max3A_27 = vector.multi_reduction <maximumf>, %select_n3A_25, %reduce_max3A_26 [1] : vector<2048x16xf32> to vector<2048xf32>
    %broadcast_in_dim3A_28 = vector.shape_cast %reduce_max3A_27 : vector<2048xf32> to vector<2048x1xf32>
    %eq3A_29 = vector.broadcast %broadcast_in_dim3A_28 : vector<2048x1xf32> to vector<2048x16xf32>
    %eq3A_30 = arith.cmpf oeq, %select_n3A_25, %eq3A_29 : vector<2048x16xf32>
    %jit3A_31 = arith.constant 16 : i32
    %broadcast_in_dim3A_32 = vector.broadcast %jit3A_31 : i32 to vector<2048x16xi32>
    %select_n3A_33 = arith.select %eq3A_30, %iota3A, %broadcast_in_dim3A_32 : vector<2048x16xi1>, vector<2048x16xi32>
    %reduce_min3A_34 = arith.constant dense<2147483647> : vector<2048xi32>
    %reduce_min3A_35 = vector.multi_reduction <minsi>, %select_n3A_33, %reduce_min3A_34 [1] : vector<2048x16xi32> to vector<2048xi32>
    %broadcast_in_dim3A_36 = vector.shape_cast %reduce_min3A_35 : vector<2048xi32> to vector<2048x1xi32>
    %eq3A_37 = arith.constant 0 : i32
    %eq3A_38 = vector.broadcast %eq3A_37 : i32 to vector<2048x1xi32>
    %eq3A_39 = arith.cmpi eq, %broadcast_in_dim3A_20, %eq3A_38 : vector<2048x1xi32>
    %eq3A_40 = arith.constant 0 : i32
    %eq3A_41 = vector.broadcast %eq3A_40 : i32 to vector<2048x1xi32>
    %eq3A_42 = arith.cmpi eq, %broadcast_in_dim3A_36, %eq3A_41 : vector<2048x1xi32>
    %or3A = arith.ori %eq3A_39, %eq3A_42 : vector<2048x1xi1>
    %convert_element_type3A = arith.extui %or3A : vector<2048x1xi1> to vector<2048x1xi32>
    %convert_element_type3A_43 = arith.sitofp %convert_element_type3A : vector<2048x1xi32> to vector<2048x1xf32>
    %eq3A_44 = arith.constant 1 : i32
    %eq3A_45 = vector.broadcast %eq3A_44 : i32 to vector<2048x1xi32>
    %eq3A_46 = arith.cmpi eq, %broadcast_in_dim3A_20, %eq3A_45 : vector<2048x1xi32>
    %eq3A_47 = arith.constant 1 : i32
    %eq3A_48 = vector.broadcast %eq3A_47 : i32 to vector<2048x1xi32>
    %eq3A_49 = arith.cmpi eq, %broadcast_in_dim3A_36, %eq3A_48 : vector<2048x1xi32>
    %or3A_50 = arith.ori %eq3A_46, %eq3A_49 : vector<2048x1xi1>
    %convert_element_type3A_51 = arith.extui %or3A_50 : vector<2048x1xi1> to vector<2048x1xi32>
    %convert_element_type3A_52 = arith.sitofp %convert_element_type3A_51 : vector<2048x1xi32> to vector<2048x1xf32>
    %concatenate3A = tpu.concatenate %broadcast_in_dim3A_20, %broadcast_in_dim3A_36 in 1 : vector<2048x1xi32>, vector<2048x1xi32> -> vector<2048x2xi32>
    %swap3A = arith.constant 0 : index
    %swap3A_53 = arith.constant 0 : index
    %swap3A_54 = vector.load %arg4[%swap3A, %swap3A_53] : memref<2048x2xi32, #tpu.memory_space<vmem>>, vector<2048x2xi32>
    tpu.vector_store %arg4[%swap3A, %swap3A_53], %concatenate3A {strides = array<i32>} : memref<2048x2xi32, #tpu.memory_space<vmem>>, vector<2048x2xi32>,
    %slice3A = vector.extract_strided_slice %max3A_15 {offsets = [0, 0], sizes = [2048, 1], strides = [1, 1]} : vector<2048x16xf32> to vector<2048x1xf32>
    %mul3A = arith.mulf %slice3A, %convert_element_type3A_43 : vector<2048x1xf32>
    %slice3A_55 = vector.extract_strided_slice %max3A_15 {offsets = [0, 1], sizes = [2048, 1], strides = [1, 1]} : vector<2048x16xf32> to vector<2048x1xf32>
    %mul3A_56 = arith.mulf %slice3A_55, %convert_element_type3A_52 : vector<2048x1xf32>
    %concatenate3A_57 = tpu.concatenate %mul3A, %mul3A_56 in 1 : vector<2048x1xf32>, vector<2048x1xf32> -> vector<2048x2xf32>
    %swap3A_58 = arith.constant 0 : index
    %swap3A_59 = arith.constant 0 : index
    %swap3A_60 = vector.load %arg5[%swap3A_58, %swap3A_59] : memref<2048x2xf32, #tpu.memory_space<vmem>>, vector<2048x2xf32>
    tpu.vector_store %arg5[%swap3A_58, %swap3A_59], %concatenate3A_57 {strides = array<i32>} : memref<2048x2xf32, #tpu.memory_space<vmem>>, vector<2048x2xf32>,
    return
  }
}

module attributes {stable_mosaic.version = 14 : i64} {
  func.func @_grouped_kernel(%arg0: i32, %arg1: memref<84xi32, #tpu.memory_space<smem>>, %arg2: memref<84xi32, #tpu.memory_space<smem>>, %arg3: memref<64x1xi32, #tpu.memory_space<vmem>>, %arg4: memref<2048x768xf32, #tpu.memory_space<vmem>>, %arg5: memref<1x1536x768xf32, #tpu.memory_space<vmem>>, %arg6: memref<1x1x1536xf32, #tpu.memory_space<vmem>>, %arg7: memref<1x1536x768xf32, #tpu.memory_space<vmem>>, %arg8: memref<64x1xf32, #tpu.memory_space<vmem>>, %arg9: memref<1x768xf32, #tpu.memory_space<vmem>>, %arg10: memref<64x768xf32, #tpu.memory_space<vmem>>) attributes {dimension_semantics = [#tpu.dimension_semantics<arbitrary>], iteration_bounds = array<i64: 84>, scalar_prefetch = 2 : i64, scratch_operands = 0 : i64, tpu.core_type = #tpu.core_type<tc>, window_params = [{transform_indices = @transform_0, window_bounds = array<i64: 64, 1>}, {pipeline_mode = #tpu.pipeline_mode<synchronous>, transform_indices = @transform_1, window_bounds = array<i64: 2048, 768>}, {transform_indices = @transform_2, window_bounds = array<i64: 1, 1536, 768>}, {transform_indices = @transform_3, window_bounds = array<i64: 1, 1, 1536>}, {transform_indices = @transform_4, window_bounds = array<i64: 1, 1536, 768>}, {transform_indices = @transform_5, window_bounds = array<i64: 64, 1>}, {pipeline_mode = #tpu.pipeline_mode<synchronous>, transform_indices = @transform_6, window_bounds = array<i64: 1, 768>}, {transform_indices = @transform_7, window_bounds = array<i64: 64, 768>}]} {
    %get3A = arith.index_cast %arg0 : i32 to index
    %get3A_0 = memref.load %arg2[%get3A] : memref<84xi32, #tpu.memory_space<smem>>
    %eq3A = arith.constant 0 : i32
    %eq3A_1 = arith.cmpi eq, %get3A_0, %eq3A : i32
    %convert_element_type3A = arith.extui %eq3A_1 : i1 to i32
    %cond3A = arith.constant 0 : i32
    %cond3A_2 = arith.cmpi ne, %convert_element_type3A, %cond3A : i32
    scf.if %cond3A_2 {
      %broadcast_in_dim3A = arith.constant 0.000000e+00 : f32
      %broadcast_in_dim3A_9 = vector.broadcast %broadcast_in_dim3A : f32 to vector<64x768xf32>
      %swap3A = arith.constant 0 : index
      %swap3A_10 = arith.constant 0 : index
      %swap3A_11 = vector.load %arg10[%swap3A, %swap3A_10] : memref<64x768xf32, #tpu.memory_space<vmem>>, vector<64x768xf32>
      tpu.vector_store %arg10[%swap3A, %swap3A_10], %broadcast_in_dim3A_9 {strides = array<i32>} : memref<64x768xf32, #tpu.memory_space<vmem>>, vector<64x768xf32>,
    } else {
    }
    %get3A_3 = arith.index_cast %arg0 : i32 to index
    %get3A_4 = memref.load %arg2[%get3A_3] : memref<84xi32, #tpu.memory_space<smem>>
    %ne3A = arith.constant 0 : i32
    %ne3A_5 = arith.cmpi ne, %get3A_4, %ne3A : i32
    %convert_element_type3A_6 = arith.extui %ne3A_5 : i1 to i32
    %cond3A_7 = arith.constant 0 : i32
    %cond3A_8 = arith.cmpi ne, %convert_element_type3A_6, %cond3A_7 : i32
    scf.if %cond3A_8 {
      %get3A_9 = arith.constant 0 : index
      %get3A_10 = arith.constant 0 : index
      %get3A_11 = vector.load %arg3[%get3A_9, %get3A_10] : memref<64x1xi32, #tpu.memory_space<vmem>>, vector<64x1xi32>
      %iota3A = tpu.iota {dimensions = array<i32: 1>} : vector<64x2048xi32>
      %eq3A_12 = vector.broadcast %get3A_11 : vector<64x1xi32> to vector<64x2048xi32>
      %eq3A_13 = arith.cmpi eq, %eq3A_12, %iota3A : vector<64x2048xi32>
      %convert_element_type3A_14 = arith.extui %eq3A_13 : vector<64x2048xi1> to vector<64x2048xi32>
      %convert_element_type3A_15 = arith.sitofp %convert_element_type3A_14 : vector<64x2048xi32> to vector<64x2048xf32>
      %get3A_16 = arith.constant 0 : index
      %get3A_17 = arith.constant 0 : index
      %get3A_18 = vector.load %arg4[%get3A_16, %get3A_17] : memref<2048x768xf32, #tpu.memory_space<vmem>>, vector<2048x768xf32>
      %dot_general3A = arith.constant dense<0.000000e+00> : vector<64x768xf32>
      %dot_general3A_19 = tpu.matmul %convert_element_type3A_15, %get3A_18, %dot_general3A {dimension_numbers = #tpu.dot_dimension_numbers<[1], [0], [0], [1], [0, 0, 1, 1], [], []>, transpose_lhs_hint = false} : vector<64x2048xf32>, vector<2048x768xf32>, vector<64x768xf32> -> vector<64x768xf32>
      %get3A_20 = arith.constant 0 : index
      %get3A_21 = arith.constant 0 : index
      %get3A_22 = vector.load %arg9[%get3A_20, %get3A_21] : memref<1x768xf32, #tpu.memory_space<vmem>>, vector<1x768xf32>
      %sub3A = vector.broadcast %get3A_22 : vector<1x768xf32> to vector<64x768xf32>
      %sub3A_23 = arith.subf %dot_general3A_19, %sub3A : vector<64x768xf32>
      %convert_element_type3A_24 = arith.truncf %sub3A_23 : vector<64x768xf32> to vector<64x768xbf16>
      %get3A_25 = arith.constant 0 : index
      %get3A_26 = arith.constant 0 : index
      %get3A_27 = arith.constant 0 : index
      %get3A_28 = vector.load %arg5[%get3A_25, %get3A_26, %get3A_27] : memref<1x1536x768xf32, #tpu.memory_space<vmem>>, vector<1x1536x768xf32>
      %get3A_29 = vector.shape_cast %get3A_28 : vector<1x1536x768xf32> to vector<1536x768xf32>
      %convert_element_type3A_30 = arith.truncf %get3A_29 : vector<1536x768xf32> to vector<1536x768xbf16>
      %dot_general3A_31 = arith.constant dense<0.000000e+00> : vector<64x1536xf32>
      %dot_general3A_32 = tpu.matmul %convert_element_type3A_24, %convert_element_type3A_30, %dot_general3A_31 {dimension_numbers = #tpu.dot_dimension_numbers<[1], [1], [0], [0], [0, 0, 1, 0], [], []>, transpose_lhs_hint = false} : vector<64x768xbf16>, vector<1536x768xbf16>, vector<64x1536xf32> -> vector<64x1536xf32>
      %get3A_33 = arith.constant 0 : index
      %get3A_34 = arith.constant 0 : index
      %get3A_35 = arith.constant 0 : index
      %get3A_36 = vector.load %arg6[%get3A_33, %get3A_34, %get3A_35] : memref<1x1x1536xf32, #tpu.memory_space<vmem>>, vector<1x1x1536xf32>
      %get3A_37 = vector.shape_cast %get3A_36 : vector<1x1x1536xf32> to vector<1x1536xf32>
      %add3A = vector.broadcast %get3A_37 : vector<1x1536xf32> to vector<64x1536xf32>
      %add3A_38 = arith.addf %dot_general3A_32, %add3A : vector<64x1536xf32>
      %max3A = arith.constant 0.000000e+00 : f32
      %max3A_39 = vector.broadcast %max3A : f32 to vector<64x1536xf32>
      %max3A_40 = arith.maximumf %add3A_38, %max3A_39 : vector<64x1536xf32>
      %bitcast_convert_type3A = tpu.bitcast %max3A_40 : vector<64x1536xf32> -> vector<64x1536xi32>
      %broadcast_in_dim3A = arith.constant 0 : i32
      %broadcast_in_dim3A_41 = vector.broadcast %broadcast_in_dim3A : i32 to vector<64x1xi32>
      %or3A = arith.constant 1073741824 : i32
      %or3A_42 = vector.broadcast %or3A : i32 to vector<64x1xi32>
      %or3A_43 = arith.ori %broadcast_in_dim3A_41, %or3A_42 : vector<64x1xi32>
      %ge3A = vector.broadcast %or3A_43 : vector<64x1xi32> to vector<64x1536xi32>
      %ge3A_44 = arith.cmpi sge, %bitcast_convert_type3A, %ge3A : vector<64x1536xi32>
      %convert_element_type3A_45 = arith.extui %ge3A_44 : vector<64x1536xi1> to vector<64x1536xi32>
      %reduce_sum3A = arith.constant dense<0> : vector<64xi32>
      %reduce_sum3A_46 = vector.multi_reduction <add>, %convert_element_type3A_45, %reduce_sum3A [1] : vector<64x1536xi32> to vector<64xi32>
      %broadcast_in_dim3A_47 = vector.shape_cast %reduce_sum3A_46 : vector<64xi32> to vector<64x1xi32>
      %ge3A_48 = arith.constant 32 : i32
      %ge3A_49 = vector.broadcast %ge3A_48 : i32 to vector<64x1xi32>
      %ge3A_50 = arith.cmpi sge, %broadcast_in_dim3A_47, %ge3A_49 : vector<64x1xi32>
      %select_n3A = arith.select %ge3A_50, %or3A_43, %broadcast_in_dim3A_41 : vector<64x1xi1>, vector<64x1xi32>
      %or3A_51 = arith.constant 536870912 : i32
      %or3A_52 = vector.broadcast %or3A_51 : i32 to vector<64x1xi32>
      %or3A_53 = arith.ori %select_n3A, %or3A_52 : vector<64x1xi32>
      %ge3A_54 = vector.broadcast %or3A_53 : vector<64x1xi32> to vector<64x1536xi32>
      %ge3A_55 = arith.cmpi sge, %bitcast_convert_type3A, %ge3A_54 : vector<64x1536xi32>
      %convert_element_type3A_56 = arith.extui %ge3A_55 : vector<64x1536xi1> to vector<64x1536xi32>
      %reduce_sum3A_57 = arith.constant dense<0> : vector<64xi32>
      %reduce_sum3A_58 = vector.multi_reduction <add>, %convert_element_type3A_56, %reduce_sum3A_57 [1] : vector<64x1536xi32> to vector<64xi32>
      %broadcast_in_dim3A_59 = vector.shape_cast %reduce_sum3A_58 : vector<64xi32> to vector<64x1xi32>
      %ge3A_60 = arith.constant 32 : i32
      %ge3A_61 = vector.broadcast %ge3A_60 : i32 to vector<64x1xi32>
      %ge3A_62 = arith.cmpi sge, %broadcast_in_dim3A_59, %ge3A_61 : vector<64x1xi32>
      %select_n3A_63 = arith.select %ge3A_62, %or3A_53, %select_n3A : vector<64x1xi1>, vector<64x1xi32>
      %or3A_64 = arith.constant 268435456 : i32
      %or3A_65 = vector.broadcast %or3A_64 : i32 to vector<64x1xi32>
      %or3A_66 = arith.ori %select_n3A_63, %or3A_65 : vector<64x1xi32>
      %ge3A_67 = vector.broadcast %or3A_66 : vector<64x1xi32> to vector<64x1536xi32>
      %ge3A_68 = arith.cmpi sge, %bitcast_convert_type3A, %ge3A_67 : vector<64x1536xi32>
      %convert_element_type3A_69 = arith.extui %ge3A_68 : vector<64x1536xi1> to vector<64x1536xi32>
      %reduce_sum3A_70 = arith.constant dense<0> : vector<64xi32>
      %reduce_sum3A_71 = vector.multi_reduction <add>, %convert_element_type3A_69, %reduce_sum3A_70 [1] : vector<64x1536xi32> to vector<64xi32>
      %broadcast_in_dim3A_72 = vector.shape_cast %reduce_sum3A_71 : vector<64xi32> to vector<64x1xi32>
      %ge3A_73 = arith.constant 32 : i32
      %ge3A_74 = vector.broadcast %ge3A_73 : i32 to vector<64x1xi32>
      %ge3A_75 = arith.cmpi sge, %broadcast_in_dim3A_72, %ge3A_74 : vector<64x1xi32>
      %select_n3A_76 = arith.select %ge3A_75, %or3A_66, %select_n3A_63 : vector<64x1xi1>, vector<64x1xi32>
      %or3A_77 = arith.constant 134217728 : i32
      %or3A_78 = vector.broadcast %or3A_77 : i32 to vector<64x1xi32>
      %or3A_79 = arith.ori %select_n3A_76, %or3A_78 : vector<64x1xi32>
      %ge3A_80 = vector.broadcast %or3A_79 : vector<64x1xi32> to vector<64x1536xi32>
      %ge3A_81 = arith.cmpi sge, %bitcast_convert_type3A, %ge3A_80 : vector<64x1536xi32>
      %convert_element_type3A_82 = arith.extui %ge3A_81 : vector<64x1536xi1> to vector<64x1536xi32>
      %reduce_sum3A_83 = arith.constant dense<0> : vector<64xi32>
      %reduce_sum3A_84 = vector.multi_reduction <add>, %convert_element_type3A_82, %reduce_sum3A_83 [1] : vector<64x1536xi32> to vector<64xi32>
      %broadcast_in_dim3A_85 = vector.shape_cast %reduce_sum3A_84 : vector<64xi32> to vector<64x1xi32>
      %ge3A_86 = arith.constant 32 : i32
      %ge3A_87 = vector.broadcast %ge3A_86 : i32 to vector<64x1xi32>
      %ge3A_88 = arith.cmpi sge, %broadcast_in_dim3A_85, %ge3A_87 : vector<64x1xi32>
      %select_n3A_89 = arith.select %ge3A_88, %or3A_79, %select_n3A_76 : vector<64x1xi1>, vector<64x1xi32>
      %or3A_90 = arith.constant 67108864 : i32
      %or3A_91 = vector.broadcast %or3A_90 : i32 to vector<64x1xi32>
      %or3A_92 = arith.ori %select_n3A_89, %or3A_91 : vector<64x1xi32>
      %ge3A_93 = vector.broadcast %or3A_92 : vector<64x1xi32> to vector<64x1536xi32>
      %ge3A_94 = arith.cmpi sge, %bitcast_convert_type3A, %ge3A_93 : vector<64x1536xi32>
      %convert_element_type3A_95 = arith.extui %ge3A_94 : vector<64x1536xi1> to vector<64x1536xi32>
      %reduce_sum3A_96 = arith.constant dense<0> : vector<64xi32>
      %reduce_sum3A_97 = vector.multi_reduction <add>, %convert_element_type3A_95, %reduce_sum3A_96 [1] : vector<64x1536xi32> to vector<64xi32>
      %broadcast_in_dim3A_98 = vector.shape_cast %reduce_sum3A_97 : vector<64xi32> to vector<64x1xi32>
      %ge3A_99 = arith.constant 32 : i32
      %ge3A_100 = vector.broadcast %ge3A_99 : i32 to vector<64x1xi32>
      %ge3A_101 = arith.cmpi sge, %broadcast_in_dim3A_98, %ge3A_100 : vector<64x1xi32>
      %select_n3A_102 = arith.select %ge3A_101, %or3A_92, %select_n3A_89 : vector<64x1xi1>, vector<64x1xi32>
      %or3A_103 = arith.constant 33554432 : i32
      %or3A_104 = vector.broadcast %or3A_103 : i32 to vector<64x1xi32>
      %or3A_105 = arith.ori %select_n3A_102, %or3A_104 : vector<64x1xi32>
      %ge3A_106 = vector.broadcast %or3A_105 : vector<64x1xi32> to vector<64x1536xi32>
      %ge3A_107 = arith.cmpi sge, %bitcast_convert_type3A, %ge3A_106 : vector<64x1536xi32>
      %convert_element_type3A_108 = arith.extui %ge3A_107 : vector<64x1536xi1> to vector<64x1536xi32>
      %reduce_sum3A_109 = arith.constant dense<0> : vector<64xi32>
      %reduce_sum3A_110 = vector.multi_reduction <add>, %convert_element_type3A_108, %reduce_sum3A_109 [1] : vector<64x1536xi32> to vector<64xi32>
      %broadcast_in_dim3A_111 = vector.shape_cast %reduce_sum3A_110 : vector<64xi32> to vector<64x1xi32>
      %ge3A_112 = arith.constant 32 : i32
      %ge3A_113 = vector.broadcast %ge3A_112 : i32 to vector<64x1xi32>
      %ge3A_114 = arith.cmpi sge, %broadcast_in_dim3A_111, %ge3A_113 : vector<64x1xi32>
      %select_n3A_115 = arith.select %ge3A_114, %or3A_105, %select_n3A_102 : vector<64x1xi1>, vector<64x1xi32>
      %or3A_116 = arith.constant 16777216 : i32
      %or3A_117 = vector.broadcast %or3A_116 : i32 to vector<64x1xi32>
      %or3A_118 = arith.ori %select_n3A_115, %or3A_117 : vector<64x1xi32>
      %ge3A_119 = vector.broadcast %or3A_118 : vector<64x1xi32> to vector<64x1536xi32>
      %ge3A_120 = arith.cmpi sge, %bitcast_convert_type3A, %ge3A_119 : vector<64x1536xi32>
      %convert_element_type3A_121 = arith.extui %ge3A_120 : vector<64x1536xi1> to vector<64x1536xi32>
      %reduce_sum3A_122 = arith.constant dense<0> : vector<64xi32>
      %reduce_sum3A_123 = vector.multi_reduction <add>, %convert_element_type3A_121, %reduce_sum3A_122 [1] : vector<64x1536xi32> to vector<64xi32>
      %broadcast_in_dim3A_124 = vector.shape_cast %reduce_sum3A_123 : vector<64xi32> to vector<64x1xi32>
      %ge3A_125 = arith.constant 32 : i32
      %ge3A_126 = vector.broadcast %ge3A_125 : i32 to vector<64x1xi32>
      %ge3A_127 = arith.cmpi sge, %broadcast_in_dim3A_124, %ge3A_126 : vector<64x1xi32>
      %select_n3A_128 = arith.select %ge3A_127, %or3A_118, %select_n3A_115 : vector<64x1xi1>, vector<64x1xi32>
      %or3A_129 = arith.constant 8388608 : i32
      %or3A_130 = vector.broadcast %or3A_129 : i32 to vector<64x1xi32>
      %or3A_131 = arith.ori %select_n3A_128, %or3A_130 : vector<64x1xi32>
      %ge3A_132 = vector.broadcast %or3A_131 : vector<64x1xi32> to vector<64x1536xi32>
      %ge3A_133 = arith.cmpi sge, %bitcast_convert_type3A, %ge3A_132 : vector<64x1536xi32>
      %convert_element_type3A_134 = arith.extui %ge3A_133 : vector<64x1536xi1> to vector<64x1536xi32>
      %reduce_sum3A_135 = arith.constant dense<0> : vector<64xi32>
      %reduce_sum3A_136 = vector.multi_reduction <add>, %convert_element_type3A_134, %reduce_sum3A_135 [1] : vector<64x1536xi32> to vector<64xi32>
      %broadcast_in_dim3A_137 = vector.shape_cast %reduce_sum3A_136 : vector<64xi32> to vector<64x1xi32>
      %ge3A_138 = arith.constant 32 : i32
      %ge3A_139 = vector.broadcast %ge3A_138 : i32 to vector<64x1xi32>
      %ge3A_140 = arith.cmpi sge, %broadcast_in_dim3A_137, %ge3A_139 : vector<64x1xi32>
      %select_n3A_141 = arith.select %ge3A_140, %or3A_131, %select_n3A_128 : vector<64x1xi1>, vector<64x1xi32>
      %or3A_142 = arith.constant 4194304 : i32
      %or3A_143 = vector.broadcast %or3A_142 : i32 to vector<64x1xi32>
      %or3A_144 = arith.ori %select_n3A_141, %or3A_143 : vector<64x1xi32>
      %ge3A_145 = vector.broadcast %or3A_144 : vector<64x1xi32> to vector<64x1536xi32>
      %ge3A_146 = arith.cmpi sge, %bitcast_convert_type3A, %ge3A_145 : vector<64x1536xi32>
      %convert_element_type3A_147 = arith.extui %ge3A_146 : vector<64x1536xi1> to vector<64x1536xi32>
      %reduce_sum3A_148 = arith.constant dense<0> : vector<64xi32>
      %reduce_sum3A_149 = vector.multi_reduction <add>, %convert_element_type3A_147, %reduce_sum3A_148 [1] : vector<64x1536xi32> to vector<64xi32>
      %broadcast_in_dim3A_150 = vector.shape_cast %reduce_sum3A_149 : vector<64xi32> to vector<64x1xi32>
      %ge3A_151 = arith.constant 32 : i32
      %ge3A_152 = vector.broadcast %ge3A_151 : i32 to vector<64x1xi32>
      %ge3A_153 = arith.cmpi sge, %broadcast_in_dim3A_150, %ge3A_152 : vector<64x1xi32>
      %select_n3A_154 = arith.select %ge3A_153, %or3A_144, %select_n3A_141 : vector<64x1xi1>, vector<64x1xi32>
      %or3A_155 = arith.constant 2097152 : i32
      %or3A_156 = vector.broadcast %or3A_155 : i32 to vector<64x1xi32>
      %or3A_157 = arith.ori %select_n3A_154, %or3A_156 : vector<64x1xi32>
      %ge3A_158 = vector.broadcast %or3A_157 : vector<64x1xi32> to vector<64x1536xi32>
      %ge3A_159 = arith.cmpi sge, %bitcast_convert_type3A, %ge3A_158 : vector<64x1536xi32>
      %convert_element_type3A_160 = arith.extui %ge3A_159 : vector<64x1536xi1> to vector<64x1536xi32>
      %reduce_sum3A_161 = arith.constant dense<0> : vector<64xi32>
      %reduce_sum3A_162 = vector.multi_reduction <add>, %convert_element_type3A_160, %reduce_sum3A_161 [1] : vector<64x1536xi32> to vector<64xi32>
      %broadcast_in_dim3A_163 = vector.shape_cast %reduce_sum3A_162 : vector<64xi32> to vector<64x1xi32>
      %ge3A_164 = arith.constant 32 : i32
      %ge3A_165 = vector.broadcast %ge3A_164 : i32 to vector<64x1xi32>
      %ge3A_166 = arith.cmpi sge, %broadcast_in_dim3A_163, %ge3A_165 : vector<64x1xi32>
      %select_n3A_167 = arith.select %ge3A_166, %or3A_157, %select_n3A_154 : vector<64x1xi1>, vector<64x1xi32>
      %or3A_168 = arith.constant 1048576 : i32
      %or3A_169 = vector.broadcast %or3A_168 : i32 to vector<64x1xi32>
      %or3A_170 = arith.ori %select_n3A_167, %or3A_169 : vector<64x1xi32>
      %ge3A_171 = vector.broadcast %or3A_170 : vector<64x1xi32> to vector<64x1536xi32>
      %ge3A_172 = arith.cmpi sge, %bitcast_convert_type3A, %ge3A_171 : vector<64x1536xi32>
      %convert_element_type3A_173 = arith.extui %ge3A_172 : vector<64x1536xi1> to vector<64x1536xi32>
      %reduce_sum3A_174 = arith.constant dense<0> : vector<64xi32>
      %reduce_sum3A_175 = vector.multi_reduction <add>, %convert_element_type3A_173, %reduce_sum3A_174 [1] : vector<64x1536xi32> to vector<64xi32>
      %broadcast_in_dim3A_176 = vector.shape_cast %reduce_sum3A_175 : vector<64xi32> to vector<64x1xi32>
      %ge3A_177 = arith.constant 32 : i32
      %ge3A_178 = vector.broadcast %ge3A_177 : i32 to vector<64x1xi32>
      %ge3A_179 = arith.cmpi sge, %broadcast_in_dim3A_176, %ge3A_178 : vector<64x1xi32>
      %select_n3A_180 = arith.select %ge3A_179, %or3A_170, %select_n3A_167 : vector<64x1xi1>, vector<64x1xi32>
      %or3A_181 = arith.constant 524288 : i32
      %or3A_182 = vector.broadcast %or3A_181 : i32 to vector<64x1xi32>
      %or3A_183 = arith.ori %select_n3A_180, %or3A_182 : vector<64x1xi32>
      %ge3A_184 = vector.broadcast %or3A_183 : vector<64x1xi32> to vector<64x1536xi32>
      %ge3A_185 = arith.cmpi sge, %bitcast_convert_type3A, %ge3A_184 : vector<64x1536xi32>
      %convert_element_type3A_186 = arith.extui %ge3A_185 : vector<64x1536xi1> to vector<64x1536xi32>
      %reduce_sum3A_187 = arith.constant dense<0> : vector<64xi32>
      %reduce_sum3A_188 = vector.multi_reduction <add>, %convert_element_type3A_186, %reduce_sum3A_187 [1] : vector<64x1536xi32> to vector<64xi32>
      %broadcast_in_dim3A_189 = vector.shape_cast %reduce_sum3A_188 : vector<64xi32> to vector<64x1xi32>
      %ge3A_190 = arith.constant 32 : i32
      %ge3A_191 = vector.broadcast %ge3A_190 : i32 to vector<64x1xi32>
      %ge3A_192 = arith.cmpi sge, %broadcast_in_dim3A_189, %ge3A_191 : vector<64x1xi32>
      %select_n3A_193 = arith.select %ge3A_192, %or3A_183, %select_n3A_180 : vector<64x1xi1>, vector<64x1xi32>
      %or3A_194 = arith.constant 262144 : i32
      %or3A_195 = vector.broadcast %or3A_194 : i32 to vector<64x1xi32>
      %or3A_196 = arith.ori %select_n3A_193, %or3A_195 : vector<64x1xi32>
      %ge3A_197 = vector.broadcast %or3A_196 : vector<64x1xi32> to vector<64x1536xi32>
      %ge3A_198 = arith.cmpi sge, %bitcast_convert_type3A, %ge3A_197 : vector<64x1536xi32>
      %convert_element_type3A_199 = arith.extui %ge3A_198 : vector<64x1536xi1> to vector<64x1536xi32>
      %reduce_sum3A_200 = arith.constant dense<0> : vector<64xi32>
      %reduce_sum3A_201 = vector.multi_reduction <add>, %convert_element_type3A_199, %reduce_sum3A_200 [1] : vector<64x1536xi32> to vector<64xi32>
      %broadcast_in_dim3A_202 = vector.shape_cast %reduce_sum3A_201 : vector<64xi32> to vector<64x1xi32>
      %ge3A_203 = arith.constant 32 : i32
      %ge3A_204 = vector.broadcast %ge3A_203 : i32 to vector<64x1xi32>
      %ge3A_205 = arith.cmpi sge, %broadcast_in_dim3A_202, %ge3A_204 : vector<64x1xi32>
      %select_n3A_206 = arith.select %ge3A_205, %or3A_196, %select_n3A_193 : vector<64x1xi1>, vector<64x1xi32>
      %or3A_207 = arith.constant 131072 : i32
      %or3A_208 = vector.broadcast %or3A_207 : i32 to vector<64x1xi32>
      %or3A_209 = arith.ori %select_n3A_206, %or3A_208 : vector<64x1xi32>
      %ge3A_210 = vector.broadcast %or3A_209 : vector<64x1xi32> to vector<64x1536xi32>
      %ge3A_211 = arith.cmpi sge, %bitcast_convert_type3A, %ge3A_210 : vector<64x1536xi32>
      %convert_element_type3A_212 = arith.extui %ge3A_211 : vector<64x1536xi1> to vector<64x1536xi32>
      %reduce_sum3A_213 = arith.constant dense<0> : vector<64xi32>
      %reduce_sum3A_214 = vector.multi_reduction <add>, %convert_element_type3A_212, %reduce_sum3A_213 [1] : vector<64x1536xi32> to vector<64xi32>
      %broadcast_in_dim3A_215 = vector.shape_cast %reduce_sum3A_214 : vector<64xi32> to vector<64x1xi32>
      %ge3A_216 = arith.constant 32 : i32
      %ge3A_217 = vector.broadcast %ge3A_216 : i32 to vector<64x1xi32>
      %ge3A_218 = arith.cmpi sge, %broadcast_in_dim3A_215, %ge3A_217 : vector<64x1xi32>
      %select_n3A_219 = arith.select %ge3A_218, %or3A_209, %select_n3A_206 : vector<64x1xi1>, vector<64x1xi32>
      %or3A_220 = arith.constant 65536 : i32
      %or3A_221 = vector.broadcast %or3A_220 : i32 to vector<64x1xi32>
      %or3A_222 = arith.ori %select_n3A_219, %or3A_221 : vector<64x1xi32>
      %ge3A_223 = vector.broadcast %or3A_222 : vector<64x1xi32> to vector<64x1536xi32>
      %ge3A_224 = arith.cmpi sge, %bitcast_convert_type3A, %ge3A_223 : vector<64x1536xi32>
      %convert_element_type3A_225 = arith.extui %ge3A_224 : vector<64x1536xi1> to vector<64x1536xi32>
      %reduce_sum3A_226 = arith.constant dense<0> : vector<64xi32>
      %reduce_sum3A_227 = vector.multi_reduction <add>, %convert_element_type3A_225, %reduce_sum3A_226 [1] : vector<64x1536xi32> to vector<64xi32>
      %broadcast_in_dim3A_228 = vector.shape_cast %reduce_sum3A_227 : vector<64xi32> to vector<64x1xi32>
      %ge3A_229 = arith.constant 32 : i32
      %ge3A_230 = vector.broadcast %ge3A_229 : i32 to vector<64x1xi32>
      %ge3A_231 = arith.cmpi sge, %broadcast_in_dim3A_228, %ge3A_230 : vector<64x1xi32>
      %select_n3A_232 = arith.select %ge3A_231, %or3A_222, %select_n3A_219 : vector<64x1xi1>, vector<64x1xi32>
      %or3A_233 = arith.constant 32768 : i32
      %or3A_234 = vector.broadcast %or3A_233 : i32 to vector<64x1xi32>
      %or3A_235 = arith.ori %select_n3A_232, %or3A_234 : vector<64x1xi32>
      %ge3A_236 = vector.broadcast %or3A_235 : vector<64x1xi32> to vector<64x1536xi32>
      %ge3A_237 = arith.cmpi sge, %bitcast_convert_type3A, %ge3A_236 : vector<64x1536xi32>
      %convert_element_type3A_238 = arith.extui %ge3A_237 : vector<64x1536xi1> to vector<64x1536xi32>
      %reduce_sum3A_239 = arith.constant dense<0> : vector<64xi32>
      %reduce_sum3A_240 = vector.multi_reduction <add>, %convert_element_type3A_238, %reduce_sum3A_239 [1] : vector<64x1536xi32> to vector<64xi32>
      %broadcast_in_dim3A_241 = vector.shape_cast %reduce_sum3A_240 : vector<64xi32> to vector<64x1xi32>
      %ge3A_242 = arith.constant 32 : i32
      %ge3A_243 = vector.broadcast %ge3A_242 : i32 to vector<64x1xi32>
      %ge3A_244 = arith.cmpi sge, %broadcast_in_dim3A_241, %ge3A_243 : vector<64x1xi32>
      %select_n3A_245 = arith.select %ge3A_244, %or3A_235, %select_n3A_232 : vector<64x1xi1>, vector<64x1xi32>
      %or3A_246 = arith.constant 16384 : i32
      %or3A_247 = vector.broadcast %or3A_246 : i32 to vector<64x1xi32>
      %or3A_248 = arith.ori %select_n3A_245, %or3A_247 : vector<64x1xi32>
      %ge3A_249 = vector.broadcast %or3A_248 : vector<64x1xi32> to vector<64x1536xi32>
      %ge3A_250 = arith.cmpi sge, %bitcast_convert_type3A, %ge3A_249 : vector<64x1536xi32>
      %convert_element_type3A_251 = arith.extui %ge3A_250 : vector<64x1536xi1> to vector<64x1536xi32>
      %reduce_sum3A_252 = arith.constant dense<0> : vector<64xi32>
      %reduce_sum3A_253 = vector.multi_reduction <add>, %convert_element_type3A_251, %reduce_sum3A_252 [1] : vector<64x1536xi32> to vector<64xi32>
      %broadcast_in_dim3A_254 = vector.shape_cast %reduce_sum3A_253 : vector<64xi32> to vector<64x1xi32>
      %ge3A_255 = arith.constant 32 : i32
      %ge3A_256 = vector.broadcast %ge3A_255 : i32 to vector<64x1xi32>
      %ge3A_257 = arith.cmpi sge, %broadcast_in_dim3A_254, %ge3A_256 : vector<64x1xi32>
      %select_n3A_258 = arith.select %ge3A_257, %or3A_248, %select_n3A_245 : vector<64x1xi1>, vector<64x1xi32>
      %or3A_259 = arith.constant 8192 : i32
      %or3A_260 = vector.broadcast %or3A_259 : i32 to vector<64x1xi32>
      %or3A_261 = arith.ori %select_n3A_258, %or3A_260 : vector<64x1xi32>
      %ge3A_262 = vector.broadcast %or3A_261 : vector<64x1xi32> to vector<64x1536xi32>
      %ge3A_263 = arith.cmpi sge, %bitcast_convert_type3A, %ge3A_262 : vector<64x1536xi32>
      %convert_element_type3A_264 = arith.extui %ge3A_263 : vector<64x1536xi1> to vector<64x1536xi32>
      %reduce_sum3A_265 = arith.constant dense<0> : vector<64xi32>
      %reduce_sum3A_266 = vector.multi_reduction <add>, %convert_element_type3A_264, %reduce_sum3A_265 [1] : vector<64x1536xi32> to vector<64xi32>
      %broadcast_in_dim3A_267 = vector.shape_cast %reduce_sum3A_266 : vector<64xi32> to vector<64x1xi32>
      %ge3A_268 = arith.constant 32 : i32
      %ge3A_269 = vector.broadcast %ge3A_268 : i32 to vector<64x1xi32>
      %ge3A_270 = arith.cmpi sge, %broadcast_in_dim3A_267, %ge3A_269 : vector<64x1xi32>
      %select_n3A_271 = arith.select %ge3A_270, %or3A_261, %select_n3A_258 : vector<64x1xi1>, vector<64x1xi32>
      %or3A_272 = arith.constant 4096 : i32
      %or3A_273 = vector.broadcast %or3A_272 : i32 to vector<64x1xi32>
      %or3A_274 = arith.ori %select_n3A_271, %or3A_273 : vector<64x1xi32>
      %ge3A_275 = vector.broadcast %or3A_274 : vector<64x1xi32> to vector<64x1536xi32>
      %ge3A_276 = arith.cmpi sge, %bitcast_convert_type3A, %ge3A_275 : vector<64x1536xi32>
      %convert_element_type3A_277 = arith.extui %ge3A_276 : vector<64x1536xi1> to vector<64x1536xi32>
      %reduce_sum3A_278 = arith.constant dense<0> : vector<64xi32>
      %reduce_sum3A_279 = vector.multi_reduction <add>, %convert_element_type3A_277, %reduce_sum3A_278 [1] : vector<64x1536xi32> to vector<64xi32>
      %broadcast_in_dim3A_280 = vector.shape_cast %reduce_sum3A_279 : vector<64xi32> to vector<64x1xi32>
      %ge3A_281 = arith.constant 32 : i32
      %ge3A_282 = vector.broadcast %ge3A_281 : i32 to vector<64x1xi32>
      %ge3A_283 = arith.cmpi sge, %broadcast_in_dim3A_280, %ge3A_282 : vector<64x1xi32>
      %select_n3A_284 = arith.select %ge3A_283, %or3A_274, %select_n3A_271 : vector<64x1xi1>, vector<64x1xi32>
      %or3A_285 = arith.constant 2048 : i32
      %or3A_286 = vector.broadcast %or3A_285 : i32 to vector<64x1xi32>
      %or3A_287 = arith.ori %select_n3A_284, %or3A_286 : vector<64x1xi32>
      %ge3A_288 = vector.broadcast %or3A_287 : vector<64x1xi32> to vector<64x1536xi32>
      %ge3A_289 = arith.cmpi sge, %bitcast_convert_type3A, %ge3A_288 : vector<64x1536xi32>
      %convert_element_type3A_290 = arith.extui %ge3A_289 : vector<64x1536xi1> to vector<64x1536xi32>
      %reduce_sum3A_291 = arith.constant dense<0> : vector<64xi32>
      %reduce_sum3A_292 = vector.multi_reduction <add>, %convert_element_type3A_290, %reduce_sum3A_291 [1] : vector<64x1536xi32> to vector<64xi32>
      %broadcast_in_dim3A_293 = vector.shape_cast %reduce_sum3A_292 : vector<64xi32> to vector<64x1xi32>
      %ge3A_294 = arith.constant 32 : i32
      %ge3A_295 = vector.broadcast %ge3A_294 : i32 to vector<64x1xi32>
      %ge3A_296 = arith.cmpi sge, %broadcast_in_dim3A_293, %ge3A_295 : vector<64x1xi32>
      %select_n3A_297 = arith.select %ge3A_296, %or3A_287, %select_n3A_284 : vector<64x1xi1>, vector<64x1xi32>
      %or3A_298 = arith.constant 1024 : i32
      %or3A_299 = vector.broadcast %or3A_298 : i32 to vector<64x1xi32>
      %or3A_300 = arith.ori %select_n3A_297, %or3A_299 : vector<64x1xi32>
      %ge3A_301 = vector.broadcast %or3A_300 : vector<64x1xi32> to vector<64x1536xi32>
      %ge3A_302 = arith.cmpi sge, %bitcast_convert_type3A, %ge3A_301 : vector<64x1536xi32>
      %convert_element_type3A_303 = arith.extui %ge3A_302 : vector<64x1536xi1> to vector<64x1536xi32>
      %reduce_sum3A_304 = arith.constant dense<0> : vector<64xi32>
      %reduce_sum3A_305 = vector.multi_reduction <add>, %convert_element_type3A_303, %reduce_sum3A_304 [1] : vector<64x1536xi32> to vector<64xi32>
      %broadcast_in_dim3A_306 = vector.shape_cast %reduce_sum3A_305 : vector<64xi32> to vector<64x1xi32>
      %ge3A_307 = arith.constant 32 : i32
      %ge3A_308 = vector.broadcast %ge3A_307 : i32 to vector<64x1xi32>
      %ge3A_309 = arith.cmpi sge, %broadcast_in_dim3A_306, %ge3A_308 : vector<64x1xi32>
      %select_n3A_310 = arith.select %ge3A_309, %or3A_300, %select_n3A_297 : vector<64x1xi1>, vector<64x1xi32>
      %or3A_311 = arith.constant 512 : i32
      %or3A_312 = vector.broadcast %or3A_311 : i32 to vector<64x1xi32>
      %or3A_313 = arith.ori %select_n3A_310, %or3A_312 : vector<64x1xi32>
      %ge3A_314 = vector.broadcast %or3A_313 : vector<64x1xi32> to vector<64x1536xi32>
      %ge3A_315 = arith.cmpi sge, %bitcast_convert_type3A, %ge3A_314 : vector<64x1536xi32>
      %convert_element_type3A_316 = arith.extui %ge3A_315 : vector<64x1536xi1> to vector<64x1536xi32>
      %reduce_sum3A_317 = arith.constant dense<0> : vector<64xi32>
      %reduce_sum3A_318 = vector.multi_reduction <add>, %convert_element_type3A_316, %reduce_sum3A_317 [1] : vector<64x1536xi32> to vector<64xi32>
      %broadcast_in_dim3A_319 = vector.shape_cast %reduce_sum3A_318 : vector<64xi32> to vector<64x1xi32>
      %ge3A_320 = arith.constant 32 : i32
      %ge3A_321 = vector.broadcast %ge3A_320 : i32 to vector<64x1xi32>
      %ge3A_322 = arith.cmpi sge, %broadcast_in_dim3A_319, %ge3A_321 : vector<64x1xi32>
      %select_n3A_323 = arith.select %ge3A_322, %or3A_313, %select_n3A_310 : vector<64x1xi1>, vector<64x1xi32>
      %or3A_324 = arith.constant 256 : i32
      %or3A_325 = vector.broadcast %or3A_324 : i32 to vector<64x1xi32>
      %or3A_326 = arith.ori %select_n3A_323, %or3A_325 : vector<64x1xi32>
      %ge3A_327 = vector.broadcast %or3A_326 : vector<64x1xi32> to vector<64x1536xi32>
      %ge3A_328 = arith.cmpi sge, %bitcast_convert_type3A, %ge3A_327 : vector<64x1536xi32>
      %convert_element_type3A_329 = arith.extui %ge3A_328 : vector<64x1536xi1> to vector<64x1536xi32>
      %reduce_sum3A_330 = arith.constant dense<0> : vector<64xi32>
      %reduce_sum3A_331 = vector.multi_reduction <add>, %convert_element_type3A_329, %reduce_sum3A_330 [1] : vector<64x1536xi32> to vector<64xi32>
      %broadcast_in_dim3A_332 = vector.shape_cast %reduce_sum3A_331 : vector<64xi32> to vector<64x1xi32>
      %ge3A_333 = arith.constant 32 : i32
      %ge3A_334 = vector.broadcast %ge3A_333 : i32 to vector<64x1xi32>
      %ge3A_335 = arith.cmpi sge, %broadcast_in_dim3A_332, %ge3A_334 : vector<64x1xi32>
      %select_n3A_336 = arith.select %ge3A_335, %or3A_326, %select_n3A_323 : vector<64x1xi1>, vector<64x1xi32>
      %or3A_337 = arith.constant 128 : i32
      %or3A_338 = vector.broadcast %or3A_337 : i32 to vector<64x1xi32>
      %or3A_339 = arith.ori %select_n3A_336, %or3A_338 : vector<64x1xi32>
      %ge3A_340 = vector.broadcast %or3A_339 : vector<64x1xi32> to vector<64x1536xi32>
      %ge3A_341 = arith.cmpi sge, %bitcast_convert_type3A, %ge3A_340 : vector<64x1536xi32>
      %convert_element_type3A_342 = arith.extui %ge3A_341 : vector<64x1536xi1> to vector<64x1536xi32>
      %reduce_sum3A_343 = arith.constant dense<0> : vector<64xi32>
      %reduce_sum3A_344 = vector.multi_reduction <add>, %convert_element_type3A_342, %reduce_sum3A_343 [1] : vector<64x1536xi32> to vector<64xi32>
      %broadcast_in_dim3A_345 = vector.shape_cast %reduce_sum3A_344 : vector<64xi32> to vector<64x1xi32>
      %ge3A_346 = arith.constant 32 : i32
      %ge3A_347 = vector.broadcast %ge3A_346 : i32 to vector<64x1xi32>
      %ge3A_348 = arith.cmpi sge, %broadcast_in_dim3A_345, %ge3A_347 : vector<64x1xi32>
      %select_n3A_349 = arith.select %ge3A_348, %or3A_339, %select_n3A_336 : vector<64x1xi1>, vector<64x1xi32>
      %or3A_350 = arith.constant 64 : i32
      %or3A_351 = vector.broadcast %or3A_350 : i32 to vector<64x1xi32>
      %or3A_352 = arith.ori %select_n3A_349, %or3A_351 : vector<64x1xi32>
      %ge3A_353 = vector.broadcast %or3A_352 : vector<64x1xi32> to vector<64x1536xi32>
      %ge3A_354 = arith.cmpi sge, %bitcast_convert_type3A, %ge3A_353 : vector<64x1536xi32>
      %convert_element_type3A_355 = arith.extui %ge3A_354 : vector<64x1536xi1> to vector<64x1536xi32>
      %reduce_sum3A_356 = arith.constant dense<0> : vector<64xi32>
      %reduce_sum3A_357 = vector.multi_reduction <add>, %convert_element_type3A_355, %reduce_sum3A_356 [1] : vector<64x1536xi32> to vector<64xi32>
      %broadcast_in_dim3A_358 = vector.shape_cast %reduce_sum3A_357 : vector<64xi32> to vector<64x1xi32>
      %ge3A_359 = arith.constant 32 : i32
      %ge3A_360 = vector.broadcast %ge3A_359 : i32 to vector<64x1xi32>
      %ge3A_361 = arith.cmpi sge, %broadcast_in_dim3A_358, %ge3A_360 : vector<64x1xi32>
      %select_n3A_362 = arith.select %ge3A_361, %or3A_352, %select_n3A_349 : vector<64x1xi1>, vector<64x1xi32>
      %or3A_363 = arith.constant 32 : i32
      %or3A_364 = vector.broadcast %or3A_363 : i32 to vector<64x1xi32>
      %or3A_365 = arith.ori %select_n3A_362, %or3A_364 : vector<64x1xi32>
      %ge3A_366 = vector.broadcast %or3A_365 : vector<64x1xi32> to vector<64x1536xi32>
      %ge3A_367 = arith.cmpi sge, %bitcast_convert_type3A, %ge3A_366 : vector<64x1536xi32>
      %convert_element_type3A_368 = arith.extui %ge3A_367 : vector<64x1536xi1> to vector<64x1536xi32>
      %reduce_sum3A_369 = arith.constant dense<0> : vector<64xi32>
      %reduce_sum3A_370 = vector.multi_reduction <add>, %convert_element_type3A_368, %reduce_sum3A_369 [1] : vector<64x1536xi32> to vector<64xi32>
      %broadcast_in_dim3A_371 = vector.shape_cast %reduce_sum3A_370 : vector<64xi32> to vector<64x1xi32>
      %ge3A_372 = arith.constant 32 : i32
      %ge3A_373 = vector.broadcast %ge3A_372 : i32 to vector<64x1xi32>
      %ge3A_374 = arith.cmpi sge, %broadcast_in_dim3A_371, %ge3A_373 : vector<64x1xi32>
      %select_n3A_375 = arith.select %ge3A_374, %or3A_365, %select_n3A_362 : vector<64x1xi1>, vector<64x1xi32>
      %or3A_376 = arith.constant 16 : i32
      %or3A_377 = vector.broadcast %or3A_376 : i32 to vector<64x1xi32>
      %or3A_378 = arith.ori %select_n3A_375, %or3A_377 : vector<64x1xi32>
      %ge3A_379 = vector.broadcast %or3A_378 : vector<64x1xi32> to vector<64x1536xi32>
      %ge3A_380 = arith.cmpi sge, %bitcast_convert_type3A, %ge3A_379 : vector<64x1536xi32>
      %convert_element_type3A_381 = arith.extui %ge3A_380 : vector<64x1536xi1> to vector<64x1536xi32>
      %reduce_sum3A_382 = arith.constant dense<0> : vector<64xi32>
      %reduce_sum3A_383 = vector.multi_reduction <add>, %convert_element_type3A_381, %reduce_sum3A_382 [1] : vector<64x1536xi32> to vector<64xi32>
      %broadcast_in_dim3A_384 = vector.shape_cast %reduce_sum3A_383 : vector<64xi32> to vector<64x1xi32>
      %ge3A_385 = arith.constant 32 : i32
      %ge3A_386 = vector.broadcast %ge3A_385 : i32 to vector<64x1xi32>
      %ge3A_387 = arith.cmpi sge, %broadcast_in_dim3A_384, %ge3A_386 : vector<64x1xi32>
      %select_n3A_388 = arith.select %ge3A_387, %or3A_378, %select_n3A_375 : vector<64x1xi1>, vector<64x1xi32>
      %or3A_389 = arith.constant 8 : i32
      %or3A_390 = vector.broadcast %or3A_389 : i32 to vector<64x1xi32>
      %or3A_391 = arith.ori %select_n3A_388, %or3A_390 : vector<64x1xi32>
      %ge3A_392 = vector.broadcast %or3A_391 : vector<64x1xi32> to vector<64x1536xi32>
      %ge3A_393 = arith.cmpi sge, %bitcast_convert_type3A, %ge3A_392 : vector<64x1536xi32>
      %convert_element_type3A_394 = arith.extui %ge3A_393 : vector<64x1536xi1> to vector<64x1536xi32>
      %reduce_sum3A_395 = arith.constant dense<0> : vector<64xi32>
      %reduce_sum3A_396 = vector.multi_reduction <add>, %convert_element_type3A_394, %reduce_sum3A_395 [1] : vector<64x1536xi32> to vector<64xi32>
      %broadcast_in_dim3A_397 = vector.shape_cast %reduce_sum3A_396 : vector<64xi32> to vector<64x1xi32>
      %ge3A_398 = arith.constant 32 : i32
      %ge3A_399 = vector.broadcast %ge3A_398 : i32 to vector<64x1xi32>
      %ge3A_400 = arith.cmpi sge, %broadcast_in_dim3A_397, %ge3A_399 : vector<64x1xi32>
      %select_n3A_401 = arith.select %ge3A_400, %or3A_391, %select_n3A_388 : vector<64x1xi1>, vector<64x1xi32>
      %or3A_402 = arith.constant 4 : i32
      %or3A_403 = vector.broadcast %or3A_402 : i32 to vector<64x1xi32>
      %or3A_404 = arith.ori %select_n3A_401, %or3A_403 : vector<64x1xi32>
      %ge3A_405 = vector.broadcast %or3A_404 : vector<64x1xi32> to vector<64x1536xi32>
      %ge3A_406 = arith.cmpi sge, %bitcast_convert_type3A, %ge3A_405 : vector<64x1536xi32>
      %convert_element_type3A_407 = arith.extui %ge3A_406 : vector<64x1536xi1> to vector<64x1536xi32>
      %reduce_sum3A_408 = arith.constant dense<0> : vector<64xi32>
      %reduce_sum3A_409 = vector.multi_reduction <add>, %convert_element_type3A_407, %reduce_sum3A_408 [1] : vector<64x1536xi32> to vector<64xi32>
      %broadcast_in_dim3A_410 = vector.shape_cast %reduce_sum3A_409 : vector<64xi32> to vector<64x1xi32>
      %ge3A_411 = arith.constant 32 : i32
      %ge3A_412 = vector.broadcast %ge3A_411 : i32 to vector<64x1xi32>
      %ge3A_413 = arith.cmpi sge, %broadcast_in_dim3A_410, %ge3A_412 : vector<64x1xi32>
      %select_n3A_414 = arith.select %ge3A_413, %or3A_404, %select_n3A_401 : vector<64x1xi1>, vector<64x1xi32>
      %or3A_415 = arith.constant 2 : i32
      %or3A_416 = vector.broadcast %or3A_415 : i32 to vector<64x1xi32>
      %or3A_417 = arith.ori %select_n3A_414, %or3A_416 : vector<64x1xi32>
      %ge3A_418 = vector.broadcast %or3A_417 : vector<64x1xi32> to vector<64x1536xi32>
      %ge3A_419 = arith.cmpi sge, %bitcast_convert_type3A, %ge3A_418 : vector<64x1536xi32>
      %convert_element_type3A_420 = arith.extui %ge3A_419 : vector<64x1536xi1> to vector<64x1536xi32>
      %reduce_sum3A_421 = arith.constant dense<0> : vector<64xi32>
      %reduce_sum3A_422 = vector.multi_reduction <add>, %convert_element_type3A_420, %reduce_sum3A_421 [1] : vector<64x1536xi32> to vector<64xi32>
      %broadcast_in_dim3A_423 = vector.shape_cast %reduce_sum3A_422 : vector<64xi32> to vector<64x1xi32>
      %ge3A_424 = arith.constant 32 : i32
      %ge3A_425 = vector.broadcast %ge3A_424 : i32 to vector<64x1xi32>
      %ge3A_426 = arith.cmpi sge, %broadcast_in_dim3A_423, %ge3A_425 : vector<64x1xi32>
      %select_n3A_427 = arith.select %ge3A_426, %or3A_417, %select_n3A_414 : vector<64x1xi1>, vector<64x1xi32>
      %or3A_428 = arith.constant 1 : i32
      %or3A_429 = vector.broadcast %or3A_428 : i32 to vector<64x1xi32>
      %or3A_430 = arith.ori %select_n3A_427, %or3A_429 : vector<64x1xi32>
      %ge3A_431 = vector.broadcast %or3A_430 : vector<64x1xi32> to vector<64x1536xi32>
      %ge3A_432 = arith.cmpi sge, %bitcast_convert_type3A, %ge3A_431 : vector<64x1536xi32>
      %convert_element_type3A_433 = arith.extui %ge3A_432 : vector<64x1536xi1> to vector<64x1536xi32>
      %reduce_sum3A_434 = arith.constant dense<0> : vector<64xi32>
      %reduce_sum3A_435 = vector.multi_reduction <add>, %convert_element_type3A_433, %reduce_sum3A_434 [1] : vector<64x1536xi32> to vector<64xi32>
      %broadcast_in_dim3A_436 = vector.shape_cast %reduce_sum3A_435 : vector<64xi32> to vector<64x1xi32>
      %ge3A_437 = arith.constant 32 : i32
      %ge3A_438 = vector.broadcast %ge3A_437 : i32 to vector<64x1xi32>
      %ge3A_439 = arith.cmpi sge, %broadcast_in_dim3A_436, %ge3A_438 : vector<64x1xi32>
      %select_n3A_440 = arith.select %ge3A_439, %or3A_430, %select_n3A_427 : vector<64x1xi1>, vector<64x1xi32>
      %gt3A = vector.broadcast %select_n3A_440 : vector<64x1xi32> to vector<64x1536xi32>
      %gt3A_441 = arith.cmpi sgt, %bitcast_convert_type3A, %gt3A : vector<64x1536xi32>
      %convert_element_type3A_442 = arith.extui %gt3A_441 : vector<64x1536xi1> to vector<64x1536xi32>
      %reduce_sum3A_443 = arith.constant dense<0> : vector<64xi32>
      %reduce_sum3A_444 = vector.multi_reduction <add>, %convert_element_type3A_442, %reduce_sum3A_443 [1] : vector<64x1536xi32> to vector<64xi32>
      %broadcast_in_dim3A_445 = vector.shape_cast %reduce_sum3A_444 : vector<64xi32> to vector<64x1xi32>
      %sub3A_446 = arith.constant 32 : i32
      %sub3A_447 = vector.broadcast %sub3A_446 : i32 to vector<64x1xi32>
      %sub3A_448 = arith.subi %sub3A_447, %broadcast_in_dim3A_445 : vector<64x1xi32>
      %eq3A_449 = vector.broadcast %select_n3A_440 : vector<64x1xi32> to vector<64x1536xi32>
      %eq3A_450 = arith.cmpi eq, %bitcast_convert_type3A, %eq3A_449 : vector<64x1536xi32>
      %iota3A_451 = tpu.iota {dimensions = array<i32: 1>} : vector<64x1536xi32>
      %broadcast_in_dim3A_452 = arith.constant 0 : i32
      %broadcast_in_dim3A_453 = vector.broadcast %broadcast_in_dim3A_452 : i32 to vector<64x1xi32>
      %or3A_454 = arith.constant 1024 : i32
      %or3A_455 = vector.broadcast %or3A_454 : i32 to vector<64x1xi32>
      %or3A_456 = arith.ori %broadcast_in_dim3A_453, %or3A_455 : vector<64x1xi32>
      %lt3A = vector.broadcast %or3A_456 : vector<64x1xi32> to vector<64x1536xi32>
      %lt3A_457 = arith.cmpi slt, %iota3A_451, %lt3A : vector<64x1536xi32>
      %and3A = arith.andi %eq3A_450, %lt3A_457 : vector<64x1536xi1>
      %convert_element_type3A_458 = arith.extui %and3A : vector<64x1536xi1> to vector<64x1536xi32>
      %reduce_sum3A_459 = arith.constant dense<0> : vector<64xi32>
      %reduce_sum3A_460 = vector.multi_reduction <add>, %convert_element_type3A_458, %reduce_sum3A_459 [1] : vector<64x1536xi32> to vector<64xi32>
      %broadcast_in_dim3A_461 = vector.shape_cast %reduce_sum3A_460 : vector<64xi32> to vector<64x1xi32>
      %lt3A_462 = arith.cmpi slt, %broadcast_in_dim3A_461, %sub3A_448 : vector<64x1xi32>
      %select_n3A_463 = arith.select %lt3A_462, %or3A_456, %broadcast_in_dim3A_453 : vector<64x1xi1>, vector<64x1xi32>
      %or3A_464 = arith.constant 512 : i32
      %or3A_465 = vector.broadcast %or3A_464 : i32 to vector<64x1xi32>
      %or3A_466 = arith.ori %select_n3A_463, %or3A_465 : vector<64x1xi32>
      %lt3A_467 = vector.broadcast %or3A_466 : vector<64x1xi32> to vector<64x1536xi32>
      %lt3A_468 = arith.cmpi slt, %iota3A_451, %lt3A_467 : vector<64x1536xi32>
      %and3A_469 = arith.andi %eq3A_450, %lt3A_468 : vector<64x1536xi1>
      %convert_element_type3A_470 = arith.extui %and3A_469 : vector<64x1536xi1> to vector<64x1536xi32>
      %reduce_sum3A_471 = arith.constant dense<0> : vector<64xi32>
      %reduce_sum3A_472 = vector.multi_reduction <add>, %convert_element_type3A_470, %reduce_sum3A_471 [1] : vector<64x1536xi32> to vector<64xi32>
      %broadcast_in_dim3A_473 = vector.shape_cast %reduce_sum3A_472 : vector<64xi32> to vector<64x1xi32>
      %lt3A_474 = arith.cmpi slt, %broadcast_in_dim3A_473, %sub3A_448 : vector<64x1xi32>
      %select_n3A_475 = arith.select %lt3A_474, %or3A_466, %select_n3A_463 : vector<64x1xi1>, vector<64x1xi32>
      %or3A_476 = arith.constant 256 : i32
      %or3A_477 = vector.broadcast %or3A_476 : i32 to vector<64x1xi32>
      %or3A_478 = arith.ori %select_n3A_475, %or3A_477 : vector<64x1xi32>
      %lt3A_479 = vector.broadcast %or3A_478 : vector<64x1xi32> to vector<64x1536xi32>
      %lt3A_480 = arith.cmpi slt, %iota3A_451, %lt3A_479 : vector<64x1536xi32>
      %and3A_481 = arith.andi %eq3A_450, %lt3A_480 : vector<64x1536xi1>
      %convert_element_type3A_482 = arith.extui %and3A_481 : vector<64x1536xi1> to vector<64x1536xi32>
      %reduce_sum3A_483 = arith.constant dense<0> : vector<64xi32>
      %reduce_sum3A_484 = vector.multi_reduction <add>, %convert_element_type3A_482, %reduce_sum3A_483 [1] : vector<64x1536xi32> to vector<64xi32>
      %broadcast_in_dim3A_485 = vector.shape_cast %reduce_sum3A_484 : vector<64xi32> to vector<64x1xi32>
      %lt3A_486 = arith.cmpi slt, %broadcast_in_dim3A_485, %sub3A_448 : vector<64x1xi32>
      %select_n3A_487 = arith.select %lt3A_486, %or3A_478, %select_n3A_475 : vector<64x1xi1>, vector<64x1xi32>
      %or3A_488 = arith.constant 128 : i32
      %or3A_489 = vector.broadcast %or3A_488 : i32 to vector<64x1xi32>
      %or3A_490 = arith.ori %select_n3A_487, %or3A_489 : vector<64x1xi32>
      %lt3A_491 = vector.broadcast %or3A_490 : vector<64x1xi32> to vector<64x1536xi32>
      %lt3A_492 = arith.cmpi slt, %iota3A_451, %lt3A_491 : vector<64x1536xi32>
      %and3A_493 = arith.andi %eq3A_450, %lt3A_492 : vector<64x1536xi1>
      %convert_element_type3A_494 = arith.extui %and3A_493 : vector<64x1536xi1> to vector<64x1536xi32>
      %reduce_sum3A_495 = arith.constant dense<0> : vector<64xi32>
      %reduce_sum3A_496 = vector.multi_reduction <add>, %convert_element_type3A_494, %reduce_sum3A_495 [1] : vector<64x1536xi32> to vector<64xi32>
      %broadcast_in_dim3A_497 = vector.shape_cast %reduce_sum3A_496 : vector<64xi32> to vector<64x1xi32>
      %lt3A_498 = arith.cmpi slt, %broadcast_in_dim3A_497, %sub3A_448 : vector<64x1xi32>
      %select_n3A_499 = arith.select %lt3A_498, %or3A_490, %select_n3A_487 : vector<64x1xi1>, vector<64x1xi32>
      %or3A_500 = arith.constant 64 : i32
      %or3A_501 = vector.broadcast %or3A_500 : i32 to vector<64x1xi32>
      %or3A_502 = arith.ori %select_n3A_499, %or3A_501 : vector<64x1xi32>
      %lt3A_503 = vector.broadcast %or3A_502 : vector<64x1xi32> to vector<64x1536xi32>
      %lt3A_504 = arith.cmpi slt, %iota3A_451, %lt3A_503 : vector<64x1536xi32>
      %and3A_505 = arith.andi %eq3A_450, %lt3A_504 : vector<64x1536xi1>
      %convert_element_type3A_506 = arith.extui %and3A_505 : vector<64x1536xi1> to vector<64x1536xi32>
      %reduce_sum3A_507 = arith.constant dense<0> : vector<64xi32>
      %reduce_sum3A_508 = vector.multi_reduction <add>, %convert_element_type3A_506, %reduce_sum3A_507 [1] : vector<64x1536xi32> to vector<64xi32>
      %broadcast_in_dim3A_509 = vector.shape_cast %reduce_sum3A_508 : vector<64xi32> to vector<64x1xi32>
      %lt3A_510 = arith.cmpi slt, %broadcast_in_dim3A_509, %sub3A_448 : vector<64x1xi32>
      %select_n3A_511 = arith.select %lt3A_510, %or3A_502, %select_n3A_499 : vector<64x1xi1>, vector<64x1xi32>
      %or3A_512 = arith.constant 32 : i32
      %or3A_513 = vector.broadcast %or3A_512 : i32 to vector<64x1xi32>
      %or3A_514 = arith.ori %select_n3A_511, %or3A_513 : vector<64x1xi32>
      %lt3A_515 = vector.broadcast %or3A_514 : vector<64x1xi32> to vector<64x1536xi32>
      %lt3A_516 = arith.cmpi slt, %iota3A_451, %lt3A_515 : vector<64x1536xi32>
      %and3A_517 = arith.andi %eq3A_450, %lt3A_516 : vector<64x1536xi1>
      %convert_element_type3A_518 = arith.extui %and3A_517 : vector<64x1536xi1> to vector<64x1536xi32>
      %reduce_sum3A_519 = arith.constant dense<0> : vector<64xi32>
      %reduce_sum3A_520 = vector.multi_reduction <add>, %convert_element_type3A_518, %reduce_sum3A_519 [1] : vector<64x1536xi32> to vector<64xi32>
      %broadcast_in_dim3A_521 = vector.shape_cast %reduce_sum3A_520 : vector<64xi32> to vector<64x1xi32>
      %lt3A_522 = arith.cmpi slt, %broadcast_in_dim3A_521, %sub3A_448 : vector<64x1xi32>
      %select_n3A_523 = arith.select %lt3A_522, %or3A_514, %select_n3A_511 : vector<64x1xi1>, vector<64x1xi32>
      %or3A_524 = arith.constant 16 : i32
      %or3A_525 = vector.broadcast %or3A_524 : i32 to vector<64x1xi32>
      %or3A_526 = arith.ori %select_n3A_523, %or3A_525 : vector<64x1xi32>
      %lt3A_527 = vector.broadcast %or3A_526 : vector<64x1xi32> to vector<64x1536xi32>
      %lt3A_528 = arith.cmpi slt, %iota3A_451, %lt3A_527 : vector<64x1536xi32>
      %and3A_529 = arith.andi %eq3A_450, %lt3A_528 : vector<64x1536xi1>
      %convert_element_type3A_530 = arith.extui %and3A_529 : vector<64x1536xi1> to vector<64x1536xi32>
      %reduce_sum3A_531 = arith.constant dense<0> : vector<64xi32>
      %reduce_sum3A_532 = vector.multi_reduction <add>, %convert_element_type3A_530, %reduce_sum3A_531 [1] : vector<64x1536xi32> to vector<64xi32>
      %broadcast_in_dim3A_533 = vector.shape_cast %reduce_sum3A_532 : vector<64xi32> to vector<64x1xi32>
      %lt3A_534 = arith.cmpi slt, %broadcast_in_dim3A_533, %sub3A_448 : vector<64x1xi32>
      %select_n3A_535 = arith.select %lt3A_534, %or3A_526, %select_n3A_523 : vector<64x1xi1>, vector<64x1xi32>
      %or3A_536 = arith.constant 8 : i32
      %or3A_537 = vector.broadcast %or3A_536 : i32 to vector<64x1xi32>
      %or3A_538 = arith.ori %select_n3A_535, %or3A_537 : vector<64x1xi32>
      %lt3A_539 = vector.broadcast %or3A_538 : vector<64x1xi32> to vector<64x1536xi32>
      %lt3A_540 = arith.cmpi slt, %iota3A_451, %lt3A_539 : vector<64x1536xi32>
      %and3A_541 = arith.andi %eq3A_450, %lt3A_540 : vector<64x1536xi1>
      %convert_element_type3A_542 = arith.extui %and3A_541 : vector<64x1536xi1> to vector<64x1536xi32>
      %reduce_sum3A_543 = arith.constant dense<0> : vector<64xi32>
      %reduce_sum3A_544 = vector.multi_reduction <add>, %convert_element_type3A_542, %reduce_sum3A_543 [1] : vector<64x1536xi32> to vector<64xi32>
      %broadcast_in_dim3A_545 = vector.shape_cast %reduce_sum3A_544 : vector<64xi32> to vector<64x1xi32>
      %lt3A_546 = arith.cmpi slt, %broadcast_in_dim3A_545, %sub3A_448 : vector<64x1xi32>
      %select_n3A_547 = arith.select %lt3A_546, %or3A_538, %select_n3A_535 : vector<64x1xi1>, vector<64x1xi32>
      %or3A_548 = arith.constant 4 : i32
      %or3A_549 = vector.broadcast %or3A_548 : i32 to vector<64x1xi32>
      %or3A_550 = arith.ori %select_n3A_547, %or3A_549 : vector<64x1xi32>
      %lt3A_551 = vector.broadcast %or3A_550 : vector<64x1xi32> to vector<64x1536xi32>
      %lt3A_552 = arith.cmpi slt, %iota3A_451, %lt3A_551 : vector<64x1536xi32>
      %and3A_553 = arith.andi %eq3A_450, %lt3A_552 : vector<64x1536xi1>
      %convert_element_type3A_554 = arith.extui %and3A_553 : vector<64x1536xi1> to vector<64x1536xi32>
      %reduce_sum3A_555 = arith.constant dense<0> : vector<64xi32>
      %reduce_sum3A_556 = vector.multi_reduction <add>, %convert_element_type3A_554, %reduce_sum3A_555 [1] : vector<64x1536xi32> to vector<64xi32>
      %broadcast_in_dim3A_557 = vector.shape_cast %reduce_sum3A_556 : vector<64xi32> to vector<64x1xi32>
      %lt3A_558 = arith.cmpi slt, %broadcast_in_dim3A_557, %sub3A_448 : vector<64x1xi32>
      %select_n3A_559 = arith.select %lt3A_558, %or3A_550, %select_n3A_547 : vector<64x1xi1>, vector<64x1xi32>
      %or3A_560 = arith.constant 2 : i32
      %or3A_561 = vector.broadcast %or3A_560 : i32 to vector<64x1xi32>
      %or3A_562 = arith.ori %select_n3A_559, %or3A_561 : vector<64x1xi32>
      %lt3A_563 = vector.broadcast %or3A_562 : vector<64x1xi32> to vector<64x1536xi32>
      %lt3A_564 = arith.cmpi slt, %iota3A_451, %lt3A_563 : vector<64x1536xi32>
      %and3A_565 = arith.andi %eq3A_450, %lt3A_564 : vector<64x1536xi1>
      %convert_element_type3A_566 = arith.extui %and3A_565 : vector<64x1536xi1> to vector<64x1536xi32>
      %reduce_sum3A_567 = arith.constant dense<0> : vector<64xi32>
      %reduce_sum3A_568 = vector.multi_reduction <add>, %convert_element_type3A_566, %reduce_sum3A_567 [1] : vector<64x1536xi32> to vector<64xi32>
      %broadcast_in_dim3A_569 = vector.shape_cast %reduce_sum3A_568 : vector<64xi32> to vector<64x1xi32>
      %lt3A_570 = arith.cmpi slt, %broadcast_in_dim3A_569, %sub3A_448 : vector<64x1xi32>
      %select_n3A_571 = arith.select %lt3A_570, %or3A_562, %select_n3A_559 : vector<64x1xi1>, vector<64x1xi32>
      %or3A_572 = arith.constant 1 : i32
      %or3A_573 = vector.broadcast %or3A_572 : i32 to vector<64x1xi32>
      %or3A_574 = arith.ori %select_n3A_571, %or3A_573 : vector<64x1xi32>
      %lt3A_575 = vector.broadcast %or3A_574 : vector<64x1xi32> to vector<64x1536xi32>
      %lt3A_576 = arith.cmpi slt, %iota3A_451, %lt3A_575 : vector<64x1536xi32>
      %and3A_577 = arith.andi %eq3A_450, %lt3A_576 : vector<64x1536xi1>
      %convert_element_type3A_578 = arith.extui %and3A_577 : vector<64x1536xi1> to vector<64x1536xi32>
      %reduce_sum3A_579 = arith.constant dense<0> : vector<64xi32>
      %reduce_sum3A_580 = vector.multi_reduction <add>, %convert_element_type3A_578, %reduce_sum3A_579 [1] : vector<64x1536xi32> to vector<64xi32>
      %broadcast_in_dim3A_581 = vector.shape_cast %reduce_sum3A_580 : vector<64xi32> to vector<64x1xi32>
      %lt3A_582 = arith.cmpi slt, %broadcast_in_dim3A_581, %sub3A_448 : vector<64x1xi32>
      %select_n3A_583 = arith.select %lt3A_582, %or3A_574, %select_n3A_571 : vector<64x1xi1>, vector<64x1xi32>
      %le3A = vector.broadcast %select_n3A_583 : vector<64x1xi32> to vector<64x1536xi32>
      %le3A_584 = arith.cmpi sle, %iota3A_451, %le3A : vector<64x1536xi32>
      %and3A_585 = arith.andi %eq3A_450, %le3A_584 : vector<64x1536xi1>
      %or3A_586 = arith.ori %gt3A_441, %and3A_585 : vector<64x1536xi1>
      %jit3A = arith.constant 0.000000e+00 : f32
      %broadcast_in_dim3A_587 = vector.broadcast %jit3A : f32 to vector<64x1536xf32>
      %select_n3A_588 = arith.select %or3A_586, %max3A_40, %broadcast_in_dim3A_587 : vector<64x1536xi1>, vector<64x1536xf32>
      %convert_element_type3A_589 = arith.truncf %select_n3A_588 : vector<64x1536xf32> to vector<64x1536xbf16>
      %get3A_590 = arith.constant 0 : index
      %get3A_591 = arith.constant 0 : index
      %get3A_592 = arith.constant 0 : index
      %get3A_593 = vector.load %arg7[%get3A_590, %get3A_591, %get3A_592] : memref<1x1536x768xf32, #tpu.memory_space<vmem>>, vector<1x1536x768xf32>
      %get3A_594 = vector.shape_cast %get3A_593 : vector<1x1536x768xf32> to vector<1536x768xf32>
      %convert_element_type3A_595 = arith.truncf %get3A_594 : vector<1536x768xf32> to vector<1536x768xbf16>
      %dot_general3A_596 = arith.constant dense<0.000000e+00> : vector<64x768xf32>
      %dot_general3A_597 = tpu.matmul %convert_element_type3A_589, %convert_element_type3A_595, %dot_general3A_596 {dimension_numbers = #tpu.dot_dimension_numbers<[1], [0], [0], [1], [0, 0, 1, 1], [], []>, transpose_lhs_hint = false} : vector<64x1536xbf16>, vector<1536x768xbf16>, vector<64x768xf32> -> vector<64x768xf32>
      %get3A_598 = arith.constant 0 : index
      %get3A_599 = arith.constant 0 : index
      %get3A_600 = vector.load %arg8[%get3A_598, %get3A_599] : memref<64x1xf32, #tpu.memory_space<vmem>>, vector<64x1xf32>
      %mul3A = vector.broadcast %get3A_600 : vector<64x1xf32> to vector<64x768xf32>
      %mul3A_601 = arith.mulf %dot_general3A_597, %mul3A : vector<64x768xf32>
      %swap3A = arith.constant 0 : index
      %swap3A_602 = arith.constant 0 : index
      %swap3A_603 = vector.load %arg10[%swap3A, %swap3A_602] : memref<64x768xf32, #tpu.memory_space<vmem>>, vector<64x768xf32>
      tpu.vector_store %arg10[%swap3A, %swap3A_602], %mul3A_601 {strides = array<i32>} : memref<64x768xf32, #tpu.memory_space<vmem>>, vector<64x768xf32>,
    } else {
    }
    return
  }
  func.func @transform_0(%arg0: i32, %arg1: memref<84xi32, #tpu.memory_space<smem>>, %arg2: memref<84xi32, #tpu.memory_space<smem>>) -> (i32, i32) {
    %c0_i32 = arith.constant 0 : i32
    %c0_i32_0 = arith.constant 0 : i32
    return %arg0, %c0_i32 : i32, i32
  }
  func.func @transform_1(%arg0: i32, %arg1: memref<84xi32, #tpu.memory_space<smem>>, %arg2: memref<84xi32, #tpu.memory_space<smem>>) -> (i32, i32) {
    %c0_i32 = arith.constant 0 : i32
    %c0_i32_0 = arith.constant 0 : i32
    %c0_i32_1 = arith.constant 0 : i32
    return %c0_i32, %c0_i32_0 : i32, i32
  }
  func.func @transform_2(%arg0: i32, %arg1: memref<84xi32, #tpu.memory_space<smem>>, %arg2: memref<84xi32, #tpu.memory_space<smem>>) -> (i32, i32, i32) {
    %get3A = arith.index_cast %arg0 : i32 to index
    %get3A_0 = memref.load %arg1[%get3A] : memref<84xi32, #tpu.memory_space<smem>>
    %c0_i32 = arith.constant 0 : i32
    %c0_i32_1 = arith.constant 0 : i32
    %c0_i32_2 = arith.constant 0 : i32
    return %get3A_0, %c0_i32, %c0_i32_1 : i32, i32, i32
  }
  func.func @transform_3(%arg0: i32, %arg1: memref<84xi32, #tpu.memory_space<smem>>, %arg2: memref<84xi32, #tpu.memory_space<smem>>) -> (i32, i32, i32) {
    %get3A = arith.index_cast %arg0 : i32 to index
    %get3A_0 = memref.load %arg1[%get3A] : memref<84xi32, #tpu.memory_space<smem>>
    %c0_i32 = arith.constant 0 : i32
    %c0_i32_1 = arith.constant 0 : i32
    %c0_i32_2 = arith.constant 0 : i32
    return %get3A_0, %c0_i32, %c0_i32_1 : i32, i32, i32
  }
  func.func @transform_4(%arg0: i32, %arg1: memref<84xi32, #tpu.memory_space<smem>>, %arg2: memref<84xi32, #tpu.memory_space<smem>>) -> (i32, i32, i32) {
    %get3A = arith.index_cast %arg0 : i32 to index
    %get3A_0 = memref.load %arg1[%get3A] : memref<84xi32, #tpu.memory_space<smem>>
    %c0_i32 = arith.constant 0 : i32
    %c0_i32_1 = arith.constant 0 : i32
    %c0_i32_2 = arith.constant 0 : i32
    return %get3A_0, %c0_i32, %c0_i32_1 : i32, i32, i32
  }
  func.func @transform_5(%arg0: i32, %arg1: memref<84xi32, #tpu.memory_space<smem>>, %arg2: memref<84xi32, #tpu.memory_space<smem>>) -> (i32, i32) {
    %c0_i32 = arith.constant 0 : i32
    %c0_i32_0 = arith.constant 0 : i32
    return %arg0, %c0_i32 : i32, i32
  }
  func.func @transform_6(%arg0: i32, %arg1: memref<84xi32, #tpu.memory_space<smem>>, %arg2: memref<84xi32, #tpu.memory_space<smem>>) -> (i32, i32) {
    %c0_i32 = arith.constant 0 : i32
    %c0_i32_0 = arith.constant 0 : i32
    %c0_i32_1 = arith.constant 0 : i32
    return %c0_i32, %c0_i32_0 : i32, i32
  }
  func.func @transform_7(%arg0: i32, %arg1: memref<84xi32, #tpu.memory_space<smem>>, %arg2: memref<84xi32, #tpu.memory_space<smem>>) -> (i32, i32) {
    %c0_i32 = arith.constant 0 : i32
    %c0_i32_0 = arith.constant 0 : i32
    return %arg0, %c0_i32 : i32, i32
  }
}

module attributes {stable_mosaic.version = 14 : i64} {
  func.func @_add_kernel(%arg0: i32, %arg1: memref<256x768xf32, #tpu.memory_space<vmem>>, %arg2: memref<256x768xf32, #tpu.memory_space<vmem>>, %arg3: memref<1x768xf32, #tpu.memory_space<vmem>>, %arg4: memref<256x768xf32, #tpu.memory_space<vmem>>) attributes {dimension_semantics = [#tpu.dimension_semantics<arbitrary>], iteration_bounds = array<i64: 8>, scalar_prefetch = 0 : i64, scratch_operands = 0 : i64, tpu.core_type = #tpu.core_type<tc>, window_params = [{transform_indices = @transform_0, window_bounds = array<i64: 256, 768>}, {transform_indices = @transform_1, window_bounds = array<i64: 256, 768>}, {pipeline_mode = #tpu.pipeline_mode<synchronous>, transform_indices = @transform_2, window_bounds = array<i64: 1, 768>}, {transform_indices = @transform_3, window_bounds = array<i64: 256, 768>}]} {
    %get3A = arith.constant 0 : index
    %get3A_0 = arith.constant 0 : index
    %get3A_1 = vector.load %arg1[%get3A, %get3A_0] : memref<256x768xf32, #tpu.memory_space<vmem>>, vector<256x768xf32>
    %get3A_2 = arith.constant 0 : index
    %get3A_3 = arith.constant 0 : index
    %get3A_4 = vector.load %arg2[%get3A_2, %get3A_3] : memref<256x768xf32, #tpu.memory_space<vmem>>, vector<256x768xf32>
    %add3A = arith.addf %get3A_1, %get3A_4 : vector<256x768xf32>
    %get3A_5 = arith.constant 0 : index
    %get3A_6 = arith.constant 0 : index
    %get3A_7 = vector.load %arg3[%get3A_5, %get3A_6] : memref<1x768xf32, #tpu.memory_space<vmem>>, vector<1x768xf32>
    %add3A_8 = vector.broadcast %get3A_7 : vector<1x768xf32> to vector<256x768xf32>
    %add3A_9 = arith.addf %add3A, %add3A_8 : vector<256x768xf32>
    %swap3A = arith.constant 0 : index
    %swap3A_10 = arith.constant 0 : index
    %swap3A_11 = vector.load %arg4[%swap3A, %swap3A_10] : memref<256x768xf32, #tpu.memory_space<vmem>>, vector<256x768xf32>
    tpu.vector_store %arg4[%swap3A, %swap3A_10], %add3A_9 {strides = array<i32>} : memref<256x768xf32, #tpu.memory_space<vmem>>, vector<256x768xf32>,
    return
  }
  func.func @transform_0(%arg0: i32) -> (i32, i32) {
    %c0_i32 = arith.constant 0 : i32
    %c0_i32_0 = arith.constant 0 : i32
    return %arg0, %c0_i32 : i32, i32
  }
  func.func @transform_1(%arg0: i32) -> (i32, i32) {
    %c0_i32 = arith.constant 0 : i32
    %c0_i32_0 = arith.constant 0 : i32
    return %arg0, %c0_i32 : i32, i32
  }
  func.func @transform_2(%arg0: i32) -> (i32, i32) {
    %c0_i32 = arith.constant 0 : i32
    %c0_i32_0 = arith.constant 0 : i32
    %c0_i32_1 = arith.constant 0 : i32
    return %c0_i32, %c0_i32_0 : i32, i32
  }
  func.func @transform_3(%arg0: i32) -> (i32, i32) {
    %c0_i32 = arith.constant 0 : i32
    %c0_i32_0 = arith.constant 0 : i32
    return %arg0, %c0_i32 : i32, i32
  }
}

</mosaic_0001>

<sc_bundles>
// kernel: kernel.6.cloned.1.call-start
scs
__scs_entry_jumppad:
0x0: {  	(pc) =	sbr.rel $0x88, $3  }
0x1: {  	(tag) =	ssettag $0x0;
	lr =	simm.s32 $0x1  }
0x2: {  	[smem:$0x3F99] =	sst lr;
	_ =	strace $0xD0000000  }
0x3: {  	_ = 	snop  }
0x4: {  	_ = 	snop  }
0x5: {  	_ = 	snop  }
0x6: {  	_ = 	snop  }
0x7: {  	_ = 	snop  }
__scs_overlays_trampoline_lowered:
0x8: {  	[smem:$0x3FA8] =	sst s0  }
0x9: {  	[smem:$0x3FA9] =	sst s1  }
0xa: {  	[smem:$0x3FAA] =	sst s2  }
0xb: {  	[smem:$0x3FAB] =	sst s3  }
0xc: {  	[smem:$0x3FAC] =	sst s4  }
0xd: {  	[smem:$0x3FAD] =	sst s5  }
0xe: {  	[smem:$0x3FAE] =	sst s6  }
0xf: {  	[smem:$0x3FAF] =	sst s7  }
0x10: {  	[smem:$0x3FB0] =	sst s8  }
0x11: {  	[smem:$0x3FB1] =	sst s9;
	s0 =	simm.s32 @!p0 $0x0  }
0x12: {  	s1 =	sld [smem:$0x3F97];
	s0 =	simm.s32 @p0 $0x1  }
0x13: {  	[smem:$0x3FB2] =	sst s0;
	s0 =	simm.s32 @!p1 $0x0  }
0x14: {  	s2 =	sld [smem:$0x3F96];
	s0 =	simm.s32 @p1 $0x1  }
0x15: {  	[smem:$0x3FB3] =	sst s0;
	s0 =	simm.s32 @!p2 $0x0  }
0x16: {  	s3 =	sld [smem:$0x3FDB];
	s0 =	simm.s32 @p2 $0x1  }
0x17: {  	s4 =	simm.s32 $0x1BF5;
	[smem:$0x3FB5] =	sst s0  }
0x18: {  	s0 =	sld [smem:$0x3F98];
	_ =	swait.ge [sflag:s4], $0x0  }
0x19: {  	s7 =	sld [smem:$0x3F99]  }
0x1a: {  	s8 =	sadd.s32 $0xFFFFE003, lr  }
0x1b: {  	s9 =	sadd.s32 $0xFFFFFEF7, lr;
	s5 =	simm.s32 $0xFFFFFFFF;
	p2 =	slt.u32 s8, $0xFFFFF086  }
0x1c: {  	p1 =	slt.u32 s9, $0xF7A;
	s5 =	simm.s32 @!p2 $0x0  }
0x1d: {  	s5 =	simm.s32 @p1 $0x1;
	p0 =	seq.s32 s7, s2  }
0x1e: {  	s7 =	smul.u32 @!p0 $0xF7A, s2;
	p2 =	seq.s32 @!p0 s5, $0x0  }
0x1f: {  	s9 =	smul.u32 $0xF7A, s1;
	s8 =	simm.s32 @!p0 $0x1BF5;
	p2 =	por !p2, p0  }
0x20: {  	[sflag:s8] =	ssyncset.s32 @!p0 $0xFFFFF086;
	s6 =	sadd.s32 @!p0 s3, s7;
	s7 =	simm.s32 @!p0 $0x108  }
0x21: {  	s3 =	sadd.s32 s3, s9;
	s6 =	sadd.s32 @!p0 $0x88, s6;
	s7 =	simm.s32 @p2 $0x1082  }
0x22: {  	[simem:s7], [sflag:s8] =	dma.local @!p0 [hbm:s6], $0xF7A  }
0x23: {  	s9 =	sor.u32 $0xD0000000, s2;
	s6 =	simm.s32 $0x108;
	_ =	swait.ge @!p0 [sflag:s8], $0x0  }
0x24: {  	s3 =	sadd.s32 $0x88, s3;
	s6 =	simm.s32 @!p1 $0x1082;
	[sflag:s4] =	ssyncset.s32 $0xFFFFF086  }
0x25: {  	[simem:s6], [sflag:s4] =	dma.local [hbm:s3], $0xF7A  }
0x26: {  	[smem:$0x3F99] =	sst s1;
	(tag) =	ssettag s2;
	_ =	strace s9  }
0x27: {  	s1 =	sld [smem:$0x3FA9]  }
0x28: {  	s2 =	sld [smem:$0x3FAA]  }
0x29: {  	s4 =	sld [smem:$0x3FAC]  }
0x2a: {  	p0 =	seq.s32 s5, $0x0;
	s5 =	sld [smem:$0x3FAD]  }
0x2b: {  	s6 =	sld [smem:$0x3FAE]  }
0x2c: {  	s7 =	sld [smem:$0x3FAF]  }
0x2d: {  	s3 =	simm.s32 $0x108;
	s8 =	sld [smem:$0x3FB0]  }
0x2e: {  	s3 =	simm.s32 @!p0 $0x1082;
	s9 =	sld [smem:$0x3FB1]  }
0x2f: {  	lr =	sadd.s32 s0, s3;
	s0 =	sld [smem:$0x3FA8]  }
0x30: {  	s3 =	sld [smem:$0x3FAB]  }
0x31: {  	[smem:$0x3FB4] =	sst s10  }
0x32: {  	s10 =	sld [smem:$0x3FB2];
	_ =	sdelay $0x3  }
0x33: {  	p0 =	seq.s32 s10, $0x1;
	s10 =	sld [smem:$0x3FB4];
	_ =	sdelay $0x3  }
0x34: {  	[smem:$0x3FB4] =	sst s10  }
0x35: {  	s10 =	sld [smem:$0x3FB3];
	_ =	sdelay $0x3  }
0x36: {  	p1 =	seq.s32 s10, $0x1;
	s10 =	sld [smem:$0x3FB4];
	_ =	sdelay $0x3  }
0x37: {  	[smem:$0x3FB4] =	sst s10  }
0x38: {  	s10 =	sld [smem:$0x3FB5]  }
0x39: {  	_ = 	snop;
	(pc) =	sbr.ind lr, $3  }
0x3a: {  	_ = 	snop  }
0x3b: {  	_ = 	snop  }
0x3c: {  	p2 =	seq.s32 s10, $0x1;
	s10 =	sld [smem:$0x3FB4]  }
0x3d: {  	_ =	shalt  }
0x3e: {  	_ =	shalt  }
0x3f: {  	_ =	shalt  }
0x40: {  	_ =	shalt  }
0x41: {  	_ =	shalt  }
0x42: {  	_ =	shalt  }
0x43: {  	_ =	shalt  }
0x44: {  	_ =	shalt  }
0x45: {  	_ =	shalt  }
0x46: {  	_ =	shalt  }
0x47: {  	_ =	shalt  }
0x48: {  	_ =	shalt  }
0x49: {  	_ =	shalt  }
0x4a: {  	_ =	shalt  }
0x4b: {  	_ =	shalt  }
0x4c: {  	_ =	shalt  }
0x4d: {  	_ =	shalt  }
0x4e: {  	_ =	shalt  }
0x4f: {  	_ =	shalt  }
0x50: {  	_ =	shalt  }
0x51: {  	_ =	shalt  }
0x52: {  	_ =	shalt  }
0x53: {  	_ =	shalt  }
0x54: {  	_ =	shalt  }
0x55: {  	_ =	shalt  }
0x56: {  	_ =	shalt  }
0x57: {  	_ =	shalt  }
0x58: {  	_ =	shalt  }
0x59: {  	_ =	shalt  }
0x5a: {  	_ =	shalt  }
0x5b: {  	_ =	shalt  }
0x5c: {  	_ =	shalt  }
0x5d: {  	_ =	shalt  }
0x5e: {  	_ =	shalt  }
0x5f: {  	_ =	shalt  }
0x60: {  	_ =	shalt  }
0x61: {  	_ =	shalt  }
0x62: {  	_ =	shalt  }
0x63: {  	_ =	shalt  }
0x64: {  	_ =	shalt  }
0x65: {  	_ =	shalt  }
0x66: {  	_ =	shalt  }
0x67: {  	_ =	shalt  }
0x68: {  	_ =	shalt  }
0x69: {  	_ =	shalt  }
0x6a: {  	_ =	shalt  }
0x6b: {  	_ =	shalt  }
0x6c: {  	_ =	shalt  }
0x6d: {  	_ =	shalt  }
0x6e: {  	_ =	shalt  }
0x6f: {  	_ =	shalt  }
0x70: {  	_ =	shalt  }
0x71: {  	_ =	shalt  }
0x72: {  	_ =	shalt  }
0x73: {  	_ =	shalt  }
0x74: {  	_ =	shalt  }
0x75: {  	_ =	shalt  }
0x76: {  	_ =	shalt  }
0x77: {  	_ =	shalt  }
0x78: {  	_ =	shalt  }
0x79: {  	_ =	shalt  }
0x7a: {  	_ =	shalt  }
0x7b: {  	_ =	shalt  }
0x7c: {  	_ =	shalt  }
0x7d: {  	_ =	shalt  }
0x7e: {  	_ =	shalt  }
0x7f: {  	_ =	shalt  }
0x80: {  	_ =	shalt  }
0x81: {  	_ =	shalt  }
0x82: {  	_ =	shalt  }
0x83: {  	_ =	shalt  }
0x84: {  	_ =	shalt  }
0x85: {  	_ =	shalt  }
0x86: {  	_ =	shalt  }
0x87: {  	_ =	shalt  }
.Lfunc_end0:
.L_simem_size_0:
called_computation_lowered:
.L_overlay_start_0:
0x88: {  	s2 =	sld [smem:$0x3FD9]  }
0x89: {  	s3 =	sld [smem:$0x3FFE];
	_ =	sdelay $0x1  }
0x8a: {  	s1 =	srdreg.scid  }
0x8b: {  	s0 =	sand.u32 $0x1, s1  }
0x8c: {  	s17 =	sshll.u32 s0, $0xA;
	s2 =	sadd.s32 s3, s2  }
0x8d: {  	s2 =	sadd.s32 s2, s17  }
0x8e: {  	[smem:$0x3FC0] =	sst s2  }
0x8f: {  	_ = 	snop  }
0x90: {  	s2 =	sld [smem:$0x3FD0];
	(tm) =	ssettm $0x1  }
0x91: {  	s18 =	sld [smem:$0x3FFB];
	_ =	sdelay $0x3  }
0x92: {  	_ =	strace s18  }
0x93: {  	s3 =	sld [smem:$0x3FFC];
	_ =	sdelay $0x3  }
0x94: {  	_ =	strace s3  }
0x95: {  	s3 =	sld [smem:$0x3FFD];
	_ =	sdelay $0x3  }
0x96: {  	_ =	strace s3  }
0x97: {  	_ =	strace $0x8FFFFFFF  }
0x98: {  	s19 =	sld [smem:$0x3FDB];
	_ =	sdelay $0x1  }
0x99: {  	s4 =	simm.s32 $_scs_section_size  }
0x9a: {  	s5 =	simm.s32 $_size__tile_overlayer_lowered;
	s6 =	simm.s32 $_tile_overlayer_lowered  }
0x9b: {  	s22 =	simm.s32 $0x1BFF;
	s21 =	sshll.u32 s6, $0x1;
	s3 =	sadd.s32 s4, s19  }
0x9c: {  	s7 =	simm.s32 $0x0;
	s20 =	sshll.u32 s5, $0x1;
	s5 =	sadd.s32 s21, s3  }
0x9d: {  	[timem:s7], [sflag:s22] =	dma.local [hbm:s5], s20  }
0x9e: {  	_ =	swait.ge [sflag:s22], s20  }
0x9f: {  	s4 =	ssub.s32 $0x0, s20;
	[sflag:s22] =	ssyncset.done $0x0  }
0xa0: {  	[sflag:s22] =	ssyncadd.s32 s4;
	_ =	sdelay $0x1  }
0xa1: {  	s23 =	simm.s32 $0x1B8B  }
0xa2: {  	_ =	swait.ge [sflag:s23], $0x1  }
0xa3: {  	[sflag:s23] =	ssyncset.done $0x0  }
0xa4: {  	s25 =	simm.s32 $0x1B8E;
	s24 =	sld [smem:$0x3FFE];
	[sflag:s23] =	ssyncadd.s32 $0xFFFFFFFF  }
0xa5: {  	s26 =	simm.s32 $execute0_lowered;
	[smem:$0x3FD2] =	sst s25  }
0xa6: {  	s5 =	sshll.u32 s26, $0x1;
	_ =	strace $0x80000046;
	[dreg:$0x1] =	wrdreg $0xFFFFFFFF  }
0xa7: {  	s28 =	simm.s32 $_size_execute0_lowered;
	s3 =	sadd.s32 s3, s5;
	[dreg:$0x0] =	wrdreg $0x0  }
0xa8: {  	s5 =	sshll.u32 s28, $0x1;
	[dreg:$0x2] =	wrdreg s3  }
0xa9: {  	[dreg:$0x3] =	wrdreg s5  }
0xaa: {  	[dreg:$0x4] =	wrdreg $0xC0  }
0xab: {  	_ =	task [dreg:s7], $0x5FFFF  }
0xac: {  	[dreg:$0x1] =	wrdreg $0xFFFFFFFF  }
0xad: {  	[dreg:$0x0] =	wrdreg $0x60  }
0xae: {  	[dreg:$0x2] =	wrdreg s24  }
0xaf: {  	[dreg:$0x3] =	wrdreg s2  }
0xb0: {  	[dreg:$0x4] =	wrdreg $0x9  }
0xb1: {  	_ =	task.clear_ibuf [dreg:s7], $0x5FFFF;
	_ =	strace $0x90000046  }
0xb2: {  	s29 =	simm.s32 $0x9;
	_ =	strace $0x80000048  }
0xb3: {  	_ =	swait.ge [sflag:s29], $0x1  }
0xb4: {  	[sflag:s29] =	ssyncadd.s32 $0xFFFFFFFF  }
0xb5: {  	_ =	strace $0x90000048  }
0xb6: {  	_ =	sfence  }
0xb7: {  	s30 =	sld [smem:$0x0];
	_ =	sdelay $0x2  }
0xb8: {  	s31 =	sshll.u32 s1, $0xD;
	s1 =	sshrl.u32 s1, $0x2  }
0xb9: {  	s3 =	sand.u32 $0x4000, s31;
	s1 =	sadd.s32 s1, s30  }
0xba: {  	s0 =	sor.u32 s3, s0;
	s1 =	sshll.u32 s1, $0x11  }
0xbb: {  	s0 =	sor.u32 s1, s0  }
0xbc: {  	s0 =	sadd.s32 $0x8F2B, s0  }
0xbd: {  	[sflag:s0] =	ssyncadd.remote.s32 $0x1  }
0xbe: {  	_ =	sfence.sel $0xFFFF  }
0xbf: {  	[dreg:$0x0] =	wrdreg $0xFFFFFFFF;
	(pc) =	sbr.abs _section_cstart, $3  }
0xc0: {  	[dreg:$0x1] =	wrdreg $0xFFFFFFFF  }
0xc1: {  	_ =	task.clear_ibuf [dreg:s7], $0x2FFFF;
	_ =	strace $0x9FFFFFFF  }
0xc2: {  	(tm) =	ssettm $0x7FFFFFFF  }
0xc3: {  	_ =	shalt  }
tec
execute0_lowered:
.L_overlay_start_1:
0x0: {  	(tag) =	ssettag $0x1  }
0x1: {  	s2 =	srdreg.scid;
	s1 =	rddreg [dreg:$0x0]  }
0x2: {  	s4 =	rddreg [dreg:$0x1];
	s5 =	sand.u32 $0x1, s2;
	s2 =	simm.s32 $0x0  }
0x3: {  	s21 =	simm.s32 $0x80;
	[smem:$0x7FF] =	sst s2  }
0x4: {  	s22 =	simm.s32 $0x900;
	_ =	strace $0x80000047;
	[dreg:$0x6] =	wrdreg s21  }
0x5: {  	s23 =	simm.s32 $0x1100;
	[dreg:$0x7] =	wrdreg s22  }
0x6: {  	s24 =	simm.s32 $0x1900;
	[dreg:$0x8] =	wrdreg s23  }
0x7: {  	s25 =	simm.s32 $0x2100;
	[dreg:$0x9] =	wrdreg s24  }
0x8: {  	s0 =	stileid.u32;
	s26 =	simm.s32 $0x2900;
	[dreg:$0xa] =	wrdreg s25  }
0x9: {  	s3 =	sshll.u32 s0, $0x4;
	s0 =	simm.s32 $0x3100;
	[dreg:$0xb] =	wrdreg s26  }
0xa: {  	s9 =	simm.s32 $0x5100;
	[dreg:$0xc] =	wrdreg s0  }
0xb: {  	s10 =	simm.s32 $0x5900;
	[dreg:$0x10] =	wrdreg s9  }
0xc: {  	s11 =	simm.s32 $0x6100;
	[dreg:$0x11] =	wrdreg s10  }
0xd: {  	s12 =	simm.s32 $0x6900;
	[dreg:$0x12] =	wrdreg s11  }
0xe: {  	s13 =	simm.s32 $0x7100;
	[dreg:$0x13] =	wrdreg s12  }
0xf: {  	s14 =	simm.s32 $0x7900;
	s15 =	simm.s32 $0x8100;
	[dreg:$0x14] =	wrdreg s13  }
0x10: {  	s16 =	simm.s32 $0x8900;
	s17 =	simm.s32 $0x9100;
	[dreg:$0x15] =	wrdreg s14  }
0x11: {  	s18 =	simm.s32 $0x9900;
	s19 =	simm.s32 $0xA100;
	[dreg:$0x16] =	wrdreg s15  }
0x12: {  	s28 =	simm.s32 $0x16100;
	s29 =	simm.s32 $0x16900;
	[dreg:$0x17] =	wrdreg s16  }
0x13: {  	s30 =	simm.s32 $0x17100;
	s31 =	simm.s32 $0x17900;
	[dreg:$0x18] =	wrdreg s17  }
0x14: {  	s6 =	sshll.u32 s5, $0x3;
	s5 =	ssub.s32 $0x2, s5;
	[dreg:$0x19] =	wrdreg s18  }
0x15: {  	s3 =	sor.u32 s6, s3;
	[dreg:$0x1a] =	wrdreg s19;
	s21 =	simm.s32 $0xA900  }
0x16: {  	s22 =	simm.s32 $0xB100;
	s23 =	simm.s32 $0xB900;
	s24 =	simm.s32 $0xC900  }
0x17: {  	s25 =	simm.s32 $0xD100;
	s26 =	simm.s32 $0xD900;
	s9 =	simm.s32 $0x100  }
0x18: {  	s10 =	simm.s32 $0xC100;
	s12 =	simm.s32 $0xE900;
	[dreg:$0x1b] =	wrdreg s21  }
0x19: {  	s13 =	simm.s32 $0xF100;
	s14 =	simm.s32 $0xF900;
	[dreg:$0x1c] =	wrdreg s22  }
0x1a: {  	s15 =	simm.s32 $0x10100;
	s16 =	simm.s32 $0x10900;
	[dreg:$0x1d] =	wrdreg s23  }
0x1b: {  	s17 =	simm.s32 $0x11100;
	s18 =	simm.s32 $0x11900;
	[dreg:$0x1e] =	wrdreg s24  }
0x1c: {  	s19 =	simm.s32 $0x12100;
	s6 =	smul.u32 $0x300, s3;
	[dreg:$0x1f] =	wrdreg s25  }
0x1d: {  	s3 =	sadd.s32 s1, s3;
	[smem:$0x7FD] =	sst s26;
	s21 =	simm.s32 $0x13100  }
0x1e: {  	s22 =	simm.s32 $0x13900;
	s23 =	simm.s32 $0x14100;
	s7 =	sadd.s32 $0x200, s3  }
0x1f: {  	s24 =	simm.s32 $0x14900;
	[dreg:$0x3] =	wrdreg s7;
	s4 =	sadd.s32 s4, s6  }
0x20: {  	s8 =	sadd.s32 s6, s1;
	s6 =	simm.s32 $0x3900;
	[dreg:$0x4] =	wrdreg s4  }
0x21: {  	s25 =	simm.s32 $0x15100;
	s7 =	simm.s32 $0x4100;
	[dreg:$0xd] =	wrdreg s6  }
0x22: {  	s26 =	simm.s32 $0x15900;
	s20 =	sadd.s32 $0x7E400, s8;
	[dreg:$0xe] =	wrdreg s7  }
0x23: {  	s8 =	simm.s32 $0x4900;
	s4 =	sadd.s32 $0x400, s1;
	[dreg:$0x5] =	wrdreg s20  }
0x24: {  	v2 =	vlaneseq.u32;
	s6 =	sadd.s32 $0x600, s1;
	[dreg:$0xf] =	wrdreg s8;
	s20 =	sshrl.u32 s5, $0x1  }
0x25: {  	vm0 =	vmmov $0xffff;
	v1 =	vshrl.u32 v2, $0x3;
	s8 =	simm.s32 $0x2;
	s7 =	ssub.s32 s5, s20;
	s5 =	sadd.s32 $0x500, s1  }
0x26: {  	v0 =	vand.u32 $0x7, v2;
	v2 =	vor.u32 $0x8, v2;
	v1 =	vmul.u32 $0x8, v1;
	s20 =	simm.s32 $0x12900;
	s1 =	simm.s32 $0x1;
	s7 =	smax.u32 s7, $0x1  }
.LBB2_1:
0x27: {  	s0 =	rddreg [dreg:$0x3]  }
0x28: {  	[tilespmem:s2], [sflag:$0x2] =	stream.linear.gather [hbm4b:s0+s2], $0x40, $0x38;
	[tilespmem:$0x18100] =	vst v63  }
0x29: {  	_ =	swait.ge [sflag:s8], $0x40  }
0x2a: {  	[sflag:s8] =	ssyncset.done $0x0  }
0x2b: {  	s11 =	rddreg [dreg:$0x6];
	[sflag:s8] =	ssyncadd.s32 $0xFFFFFFC0  }
0x2c: {  	[tilespmem:s11], [sflag:$0x2] =	stream.linear.gather [hbm4b:s3+s2], $0x40, $0x38;
	[tilespmem:$0x18100] =	vst v63  }
0x2d: {  	_ =	swait.ge [sflag:s8], $0x40  }
0x2e: {  	[sflag:s8] =	ssyncset.done $0x0  }
0x2f: {  	[sflag:s8] =	ssyncadd.s32 $0xFFFFFFC0  }
0x30: {  	v3 =	vld [tilespmem:$0x0];
	_ =	sdelay $0x4  }
0x31: {  	v4 =	vshrl.u32 v3, $0x3  }
0x32: {  	v4 =	vmul.u32 $0x30, v4  }
0x33: {  	v3 =	vand.u32 $0x7, v3  }
0x34: {  	v3 =	vor.u32 v3, v4  }
0x35: {  	v4 =	vperm.xlane v3, v0;
	_ =	sdelay $0x1  }
0x36: {  	v4 =	vadd.s32 v1, v4;
	_ =	sdelay $0x3  }
0x37: {  	v3 =	vperm.xlane v3, v2  }
0x38: {  	[tilespmem:s9], [sflag:$0x1] =	stream.indirect_vreg.gather [hbm4b:s4+s2], $0x80, v4, vm0, $0xb8;
	[tilespmem:$0x18100] =	vst v63  }
0x39: {  	s0 =	rddreg [dreg:$0x7];
	v3 =	vadd.s32 v1, v3  }
0x3a: {  	[tilespmem:s0], [sflag:$0x1] =	stream.indirect_vreg.gather [hbm4b:s5+s2], $0x80, v4, vm0, $0xb8;
	[tilespmem:$0x18100] =	vst v63  }
0x3b: {  	s11 =	rddreg [dreg:$0x8]  }
0x3c: {  	[tilespmem:s11], [sflag:$0x1] =	stream.indirect_vreg.gather [hbm4b:s6+s2], $0x80, v4, vm0, $0xb8;
	[tilespmem:$0x18100] =	vst v63  }
0x3d: {  	s0 =	rddreg [dreg:$0x9]  }
0x3e: {  	[tilespmem:s0], [sflag:$0x1] =	stream.indirect_vreg.gather [hbm4b:s4+s2], $0x80, v3, vm0, $0xb8;
	[tilespmem:$0x18100] =	vst v63  }
0x3f: {  	s11 =	rddreg [dreg:$0xa]  }
0x40: {  	[tilespmem:s11], [sflag:$0x1] =	stream.indirect_vreg.gather [hbm4b:s5+s2], $0x80, v3, vm0, $0xb8;
	[tilespmem:$0x18100] =	vst v63  }
0x41: {  	s0 =	rddreg [dreg:$0xb]  }
0x42: {  	[tilespmem:s0], [sflag:$0x1] =	stream.indirect_vreg.gather [hbm4b:s6+s2], $0x80, v3, vm0, $0xb8;
	[tilespmem:$0x18100] =	vst v63  }
0x43: {  	v3 =	vld [tilespmem:$0x10];
	_ =	sdelay $0x4  }
0x44: {  	v57 =	vshrl.u32 v3, $0x3  }
0x45: {  	v4 =	vmul.u32 $0x30, v57  }
0x46: {  	v3 =	vand.u32 $0x7, v3  }
0x47: {  	v3 =	vor.u32 v3, v4  }
0x48: {  	v4 =	vperm.xlane v3, v0;
	_ =	sdelay $0x1  }
0x49: {  	v4 =	vadd.s32 v1, v4;
	_ =	sdelay $0x3  }
0x4a: {  	s0 =	rddreg [dreg:$0xc];
	v3 =	vperm.xlane v3, v2  }
0x4b: {  	[tilespmem:s0], [sflag:$0x1] =	stream.indirect_vreg.gather [hbm4b:s4+s2], $0x80, v4, vm0, $0xb8;
	[tilespmem:$0x18100] =	vst v63  }
0x4c: {  	s11 =	rddreg [dreg:$0xd];
	v3 =	vadd.s32 v1, v3  }
0x4d: {  	[tilespmem:s11], [sflag:$0x1] =	stream.indirect_vreg.gather [hbm4b:s5+s2], $0x80, v4, vm0, $0xb8;
	[tilespmem:$0x18100] =	vst v63  }
0x4e: {  	s0 =	rddreg [dreg:$0xe]  }
0x4f: {  	[tilespmem:s0], [sflag:$0x1] =	stream.indirect_vreg.gather [hbm4b:s6+s2], $0x80, v4, vm0, $0xb8;
	[tilespmem:$0x18100] =	vst v63  }
0x50: {  	s11 =	rddreg [dreg:$0xf]  }
0x51: {  	[tilespmem:s11], [sflag:$0x1] =	stream.indirect_vreg.gather [hbm4b:s4+s2], $0x80, v3, vm0, $0xb8;
	[tilespmem:$0x18100] =	vst v63  }
0x52: {  	s0 =	rddreg [dreg:$0x10]  }
0x53: {  	[tilespmem:s0], [sflag:$0x1] =	stream.indirect_vreg.gather [hbm4b:s5+s2], $0x80, v3, vm0, $0xb8;
	[tilespmem:$0x18100] =	vst v63  }
0x54: {  	s11 =	rddreg [dreg:$0x11]  }
0x55: {  	[tilespmem:s11], [sflag:$0x1] =	stream.indirect_vreg.gather [hbm4b:s6+s2], $0x80, v3, vm0, $0xb8;
	[tilespmem:$0x18100] =	vst v63  }
0x56: {  	v3 =	vld [tilespmem:$0x20];
	_ =	sdelay $0x4  }
0x57: {  	v58 =	vshrl.u32 v3, $0x3  }
0x58: {  	v4 =	vmul.u32 $0x30, v58  }
0x59: {  	v3 =	vand.u32 $0x7, v3  }
0x5a: {  	v3 =	vor.u32 v3, v4  }
0x5b: {  	v4 =	vperm.xlane v3, v0;
	_ =	sdelay $0x1  }
0x5c: {  	v4 =	vadd.s32 v1, v4;
	_ =	sdelay $0x3  }
0x5d: {  	s0 =	rddreg [dreg:$0x12];
	v3 =	vperm.xlane v3, v2  }
0x5e: {  	[tilespmem:s0], [sflag:$0x1] =	stream.indirect_vreg.gather [hbm4b:s4+s2], $0x80, v4, vm0, $0xb8;
	[tilespmem:$0x18100] =	vst v63  }
0x5f: {  	s11 =	rddreg [dreg:$0x13];
	v3 =	vadd.s32 v1, v3  }
0x60: {  	[tilespmem:s11], [sflag:$0x1] =	stream.indirect_vreg.gather [hbm4b:s5+s2], $0x80, v4, vm0, $0xb8;
	[tilespmem:$0x18100] =	vst v63  }
0x61: {  	s0 =	rddreg [dreg:$0x14]  }
0x62: {  	[tilespmem:s0], [sflag:$0x1] =	stream.indirect_vreg.gather [hbm4b:s6+s2], $0x80, v4, vm0, $0xb8;
	[tilespmem:$0x18100] =	vst v63  }
0x63: {  	s11 =	rddreg [dreg:$0x15]  }
0x64: {  	[tilespmem:s11], [sflag:$0x1] =	stream.indirect_vreg.gather [hbm4b:s4+s2], $0x80, v3, vm0, $0xb8;
	[tilespmem:$0x18100] =	vst v63  }
0x65: {  	s0 =	rddreg [dreg:$0x16]  }
0x66: {  	[tilespmem:s0], [sflag:$0x1] =	stream.indirect_vreg.gather [hbm4b:s5+s2], $0x80, v3, vm0, $0xb8;
	[tilespmem:$0x18100] =	vst v63  }
0x67: {  	s11 =	rddreg [dreg:$0x17]  }
0x68: {  	[tilespmem:s11], [sflag:$0x1] =	stream.indirect_vreg.gather [hbm4b:s6+s2], $0x80, v3, vm0, $0xb8;
	[tilespmem:$0x18100] =	vst v63  }
0x69: {  	v3 =	vld [tilespmem:$0x30];
	_ =	sdelay $0x4  }
0x6a: {  	v59 =	vshrl.u32 v3, $0x3  }
0x6b: {  	v4 =	vmul.u32 $0x30, v59  }
0x6c: {  	v3 =	vand.u32 $0x7, v3  }
0x6d: {  	v3 =	vor.u32 v3, v4  }
0x6e: {  	v4 =	vperm.xlane v3, v0;
	_ =	sdelay $0x1  }
0x6f: {  	v4 =	vadd.s32 v1, v4;
	_ =	sdelay $0x3  }
0x70: {  	s0 =	rddreg [dreg:$0x18];
	v3 =	vperm.xlane v3, v2  }
0x71: {  	[tilespmem:s0], [sflag:$0x1] =	stream.indirect_vreg.gather [hbm4b:s4+s2], $0x80, v4, vm0, $0xb8;
	[tilespmem:$0x18100] =	vst v63  }
0x72: {  	s11 =	rddreg [dreg:$0x19];
	v3 =	vadd.s32 v1, v3  }
0x73: {  	[tilespmem:s11], [sflag:$0x1] =	stream.indirect_vreg.gather [hbm4b:s5+s2], $0x80, v4, vm0, $0xb8;
	[tilespmem:$0x18100] =	vst v63  }
0x74: {  	s0 =	rddreg [dreg:$0x1a]  }
0x75: {  	[tilespmem:s0], [sflag:$0x1] =	stream.indirect_vreg.gather [hbm4b:s6+s2], $0x80, v4, vm0, $0xb8;
	[tilespmem:$0x18100] =	vst v63  }
0x76: {  	s11 =	rddreg [dreg:$0x1b]  }
0x77: {  	[tilespmem:s11], [sflag:$0x1] =	stream.indirect_vreg.gather [hbm4b:s4+s2], $0x80, v3, vm0, $0xb8;
	[tilespmem:$0x18100] =	vst v63  }
0x78: {  	s0 =	rddreg [dreg:$0x1c]  }
0x79: {  	[tilespmem:s0], [sflag:$0x1] =	stream.indirect_vreg.gather [hbm4b:s5+s2], $0x80, v3, vm0, $0xb8;
	[tilespmem:$0x18100] =	vst v63  }
0x7a: {  	s11 =	rddreg [dreg:$0x1d]  }
0x7b: {  	[tilespmem:s11], [sflag:$0x1] =	stream.indirect_vreg.gather [hbm4b:s6+s2], $0x80, v3, vm0, $0xb8;
	[tilespmem:$0x18100] =	vst v63  }
0x7c: {  	v3 =	vld [tilespmem:$0x80];
	_ =	sdelay $0x4  }
0x7d: {  	v60 =	vshrl.u32 v3, $0x3  }
0x7e: {  	v4 =	vmul.u32 $0x30, v60  }
0x7f: {  	v3 =	vand.u32 $0x7, v3  }
0x80: {  	v3 =	vor.u32 v3, v4  }
0x81: {  	v4 =	vperm.xlane v3, v0;
	_ =	sdelay $0x1  }
0x82: {  	v4 =	vadd.s32 v1, v4;
	_ =	sdelay $0x3  }
0x83: {  	s0 =	rddreg [dreg:$0x1e];
	v3 =	vperm.xlane v3, v2  }
0x84: {  	[tilespmem:s10], [sflag:$0x1] =	stream.indirect_vreg.gather [hbm4b:s4+s2], $0x80, v4, vm0, $0xb8;
	[tilespmem:$0x18100] =	vst v63  }
0x85: {  	s11 =	rddreg [dreg:$0x1f];
	v3 =	vadd.s32 v1, v3  }
0x86: {  	[tilespmem:s0], [sflag:$0x1] =	stream.indirect_vreg.gather [hbm4b:s5+s2], $0x80, v4, vm0, $0xb8;
	[tilespmem:$0x18100] =	vst v63  }
0x87: {  	s0 =	sld [smem:$0x7FD]  }
0x88: {  	[tilespmem:s11], [sflag:$0x1] =	stream.indirect_vreg.gather [hbm4b:s6+s2], $0x80, v4, vm0, $0xb8;
	[tilespmem:$0x18100] =	vst v63  }
0x89: {  	_ = 	snop  }
0x8a: {  	[tilespmem:s0], [sflag:$0x1] =	stream.indirect_vreg.gather [hbm4b:s4+s2], $0x80, v3, vm0, $0xb8;
	[tilespmem:$0x18100] =	vst v63  }
0x8b: {  	s11 =	simm.s32 $0xE100  }
0x8c: {  	[tilespmem:s11], [sflag:$0x1] =	stream.indirect_vreg.gather [hbm4b:s5+s2], $0x80, v3, vm0, $0xb8;
	[tilespmem:$0x18100] =	vst v63  }
0x8d: {  	_ = 	snop  }
0x8e: {  	[tilespmem:s12], [sflag:$0x1] =	stream.indirect_vreg.gather [hbm4b:s6+s2], $0x80, v3, vm0, $0xb8;
	[tilespmem:$0x18100] =	vst v63  }
0x8f: {  	v3 =	vld [tilespmem:$0x90];
	_ =	sdelay $0x4  }
0x90: {  	v61 =	vshrl.u32 v3, $0x3  }
0x91: {  	v4 =	vmul.u32 $0x30, v61  }
0x92: {  	v3 =	vand.u32 $0x7, v3  }
0x93: {  	v3 =	vor.u32 v3, v4  }
0x94: {  	v4 =	vperm.xlane v3, v0;
	_ =	sdelay $0x1  }
0x95: {  	v4 =	vadd.s32 v1, v4;
	_ =	sdelay $0x3  }
0x96: {  	v3 =	vperm.xlane v3, v2  }
0x97: {  	[tilespmem:s13], [sflag:$0x1] =	stream.indirect_vreg.gather [hbm4b:s4+s2], $0x80, v4, vm0, $0xb8;
	[tilespmem:$0x18100] =	vst v63  }
0x98: {  	v3 =	vadd.s32 v1, v3  }
0x99: {  	[tilespmem:s14], [sflag:$0x1] =	stream.indirect_vreg.gather [hbm4b:s5+s2], $0x80, v4, vm0, $0xb8;
	[tilespmem:$0x18100] =	vst v63  }
0x9a: {  	_ = 	snop  }
0x9b: {  	[tilespmem:s15], [sflag:$0x1] =	stream.indirect_vreg.gather [hbm4b:s6+s2], $0x80, v4, vm0, $0xb8;
	[tilespmem:$0x18100] =	vst v63  }
0x9c: {  	_ = 	snop  }
0x9d: {  	[tilespmem:s16], [sflag:$0x1] =	stream.indirect_vreg.gather [hbm4b:s4+s2], $0x80, v3, vm0, $0xb8;
	[tilespmem:$0x18100] =	vst v63  }
0x9e: {  	_ = 	snop  }
0x9f: {  	[tilespmem:s17], [sflag:$0x1] =	stream.indirect_vreg.gather [hbm4b:s5+s2], $0x80, v3, vm0, $0xb8;
	[tilespmem:$0x18100] =	vst v63  }
0xa0: {  	_ = 	snop  }
0xa1: {  	[tilespmem:s18], [sflag:$0x1] =	stream.indirect_vreg.gather [hbm4b:s6+s2], $0x80, v3, vm0, $0xb8;
	[tilespmem:$0x18100] =	vst v63  }
0xa2: {  	v3 =	vld [tilespmem:$0xA0];
	_ =	sdelay $0x4  }
0xa3: {  	v62 =	vshrl.u32 v3, $0x3  }
0xa4: {  	v4 =	vmul.u32 $0x30, v62  }
0xa5: {  	v3 =	vand.u32 $0x7, v3  }
0xa6: {  	v3 =	vor.u32 v3, v4  }
0xa7: {  	v4 =	vperm.xlane v3, v0;
	_ =	sdelay $0x1  }
0xa8: {  	v4 =	vadd.s32 v1, v4;
	_ =	sdelay $0x3  }
0xa9: {  	v3 =	vperm.xlane v3, v2  }
0xaa: {  	[tilespmem:s19], [sflag:$0x1] =	stream.indirect_vreg.gather [hbm4b:s4+s2], $0x80, v4, vm0, $0xb8;
	[tilespmem:$0x18100] =	vst v63  }
0xab: {  	v3 =	vadd.s32 v1, v3  }
0xac: {  	[tilespmem:s20], [sflag:$0x1] =	stream.indirect_vreg.gather [hbm4b:s5+s2], $0x80, v4, vm0, $0xb8;
	[tilespmem:$0x18100] =	vst v63  }
0xad: {  	_ = 	snop  }
0xae: {  	[tilespmem:s21], [sflag:$0x1] =	stream.indirect_vreg.gather [hbm4b:s6+s2], $0x80, v4, vm0, $0xb8;
	[tilespmem:$0x18100] =	vst v63  }
0xaf: {  	_ = 	snop  }
0xb0: {  	[tilespmem:s22], [sflag:$0x1] =	stream.indirect_vreg.gather [hbm4b:s4+s2], $0x80, v3, vm0, $0xb8;
	[tilespmem:$0x18100] =	vst v63  }
0xb1: {  	_ = 	snop  }
0xb2: {  	[tilespmem:s23], [sflag:$0x1] =	stream.indirect_vreg.gather [hbm4b:s5+s2], $0x80, v3, vm0, $0xb8;
	[tilespmem:$0x18100] =	vst v63  }
0xb3: {  	_ = 	snop  }
0xb4: {  	[tilespmem:s24], [sflag:$0x1] =	stream.indirect_vreg.gather [hbm4b:s6+s2], $0x80, v3, vm0, $0xb8;
	[tilespmem:$0x18100] =	vst v63  }
0xb5: {  	v3 =	vld [tilespmem:$0xB0];
	_ =	sdelay $0x4  }
0xb6: {  	v63 =	vshrl.u32 v3, $0x3  }
0xb7: {  	v4 =	vmul.u32 $0x30, v63  }
0xb8: {  	v3 =	vand.u32 $0x7, v3  }
0xb9: {  	v3 =	vor.u32 v3, v4  }
0xba: {  	v4 =	vperm.xlane v3, v0;
	_ =	sdelay $0x1  }
0xbb: {  	v4 =	vadd.s32 v1, v4;
	_ =	sdelay $0x3  }
0xbc: {  	v3 =	vperm.xlane v3, v2  }
0xbd: {  	[tilespmem:s25], [sflag:$0x1] =	stream.indirect_vreg.gather [hbm4b:s4+s2], $0x80, v4, vm0, $0xb8;
	[tilespmem:$0x18100] =	vst v63  }
0xbe: {  	v3 =	vadd.s32 v1, v3  }
0xbf: {  	[tilespmem:s26], [sflag:$0x1] =	stream.indirect_vreg.gather [hbm4b:s5+s2], $0x80, v4, vm0, $0xb8;
	[tilespmem:$0x18100] =	vst v63  }
0xc0: {  	_ = 	snop  }
0xc1: {  	[tilespmem:s28], [sflag:$0x1] =	stream.indirect_vreg.gather [hbm4b:s6+s2], $0x80, v4, vm0, $0xb8;
	[tilespmem:$0x18100] =	vst v63  }
0xc2: {  	_ = 	snop  }
0xc3: {  	[tilespmem:s29], [sflag:$0x1] =	stream.indirect_vreg.gather [hbm4b:s4+s2], $0x80, v3, vm0, $0xb8;
	[tilespmem:$0x18100] =	vst v63  }
0xc4: {  	_ = 	snop  }
0xc5: {  	[tilespmem:s30], [sflag:$0x1] =	stream.indirect_vreg.gather [hbm4b:s5+s2], $0x80, v3, vm0, $0xb8;
	[tilespmem:$0x18100] =	vst v63  }
0xc6: {  	_ = 	snop  }
0xc7: {  	[tilespmem:s31], [sflag:$0x1] =	stream.indirect_vreg.gather [hbm4b:s6+s2], $0x80, v3, vm0, $0xb8;
	[tilespmem:$0x18100] =	vst v63  }
0xc8: {  	_ =	swait.ge [sflag:s1], $0xC000  }
0xc9: {  	[sflag:s1] =	ssyncset.done $0x0  }
0xca: {  	[sflag:s1] =	ssyncadd.s32 $0xFFFF4000  }
0xcb: {  	_ =	swait.ge [sflag:s1], $0xC000  }
0xcc: {  	[sflag:s1] =	ssyncset.done $0x0  }
0xcd: {  	s11 =	rddreg [dreg:$0x4];
	[sflag:s1] =	ssyncadd.s32 $0xFFFF4000  }
0xce: {  	[hbm4b:s11+s2] =	stream.linear.scatter [tilespmem:s9], [sflag:$0x2], $0xC000, $0x38;
	[tilespmem:$0x18100] =	vst v63  }
0xcf: {  	_ =	swait.ge [sflag:s8], $0xC000  }
0xd0: {  	p0 =	sne.s32 s7, $0x1;
	[sflag:s8] =	ssyncset.done $0x0  }
.Ltmp0:
0xd1: {  	s11 =	rddreg [dreg:$0x5];
	[sflag:s8] =	ssyncadd.s32 $0xFFFF4000;
	(pc) =	sbr.rel @p0 .LBB2_1-.Ltmp0, $4  }
0xd2: {  	[hbm4b:s11+s2] =	stream.linear.scatter [tilespmem:s10], [sflag:$0x2], $0xC000, $0x38;
	[tilespmem:$0x18100] =	vst v63  }
0xd3: {  	_ =	swait.ge [sflag:s8], $0xC000  }
0xd4: {  	[sflag:s8] =	ssyncset.done $0x0  }
0xd5: {  	s7 =	sadd.s32 $0xFFFFFFFF, s7;
	[sflag:s8] =	ssyncadd.s32 $0xFFFF4000  }
0xd6: {  	_ =	sfence.sel $0x180000  }
0xd7: {  	[bflag:$0x0] =	sbarrier.arrive $0xFFFF  }
0xd8: {  	_ =	strace $0x90000047  }
0xd9: {  	s0 =	stileid.u32;
	[bflag:$0x2] =	sbarrier.arrive $0xFFFF  }
0xda: {  	p0 =	sne.s32 s0, $0x0;
	s0 =	rddreg [dreg:$0x2]  }
0xdb: {  	s0 =	sadd.s32 @!p0 $0x100000, s0  }
0xdc: {  	[sflag:s0] =	ssyncadd.tile.s32 @!p0 $0x1;
	_ =	shalt  }
.Lfunc_end2:
_tile_overlayer_lowered:
.L_overlay_start_2:
0xdd: {  	(tag) =	ssettag $0x2  }
0xde: {  	s0 =	rddreg [dreg:$0x0];
	s2 =	stileid.u32  }
0xdf: {  	s1 =	rddreg [dreg:$0x1];
	p0 =	sne.s32 s2, $0x0  }
0xe0: {  	s3 =	rddreg [dreg:$0x2];
	[bflag:$0x3] =	sbarrier.arrive $0xFFFF;
	s2 =	simm.s32 @!p0 $0x1C02  }
0xe1: {  	[timem:s3], [sflag:s2] =	dma.local @!p0 [hbm:s0], s1  }
0xe2: {  	s0 =	simm.s32 @!p0 $0x2  }
0xe3: {  	_ =	swait.ge @!p0 [sflag:s0], s1  }
0xe4: {  	s1 =	ssub.s32 @!p0 $0x0, s1;
	[sflag:s0] =	ssyncset.done @!p0 $0x0  }
0xe5: {  	[sflag:s0] =	ssyncadd.s32 @!p0 s1  }
0xe6: {  	[bflag:$0x3] =	sbarrier.arrive $0xFFFF  }
0xe7: {  	_ =	shalt  }

</sc_bundles>
